<compile_context>
chip_gen: v7x
topology: tpu7x:2x2x1
jax: 0.10.2.dev20260603
libtpu: 0.0.44.dev20260713+nightly
codegen_flags: <defaults>
</compile_context>

<pallas_src>
import numpy as np
import jax
import jax.numpy as jnp
from jax import lax
from jax.experimental import pallas as pl
from jax.experimental.pallas import tpu as pltpu
from jax.experimental.pallas import tpu_sc as plsc

_BXC_XY = float(np.float32(np.float32(-51.2 + 0.2) - np.float32(0.4) / np.float32(2.0)))
_DX_XY = float(np.float32(0.4))
_BXC_Z = float(np.float32(np.float32(-5.0 + 4.0) - np.float32(8.0) / np.float32(2.0)))
_DX_Z = float(np.float32(8.0))

_NB = 4
_NPB = 120000
_NXY = 65536
_CB = 64
_NC, _NS, _L = 2, 16, 16
_TPB = 8
_NPT = _NPB // _TPB
_CH = 2048
_NFULL = _NPT // _CH
_TAIL = _NPT - _NFULL * _CH
_TAILV = (_TAIL + _L - 1) // _L
_VPT = _NXY // _TPB
_VCH = 2048


def _sc_body(ptab, gout, wout, ghbm, grid, xbuf, ybuf, zbuf, idxbuf, gbuf,
             wbuf, tmpbuf, sem):
    core = lax.axis_index("c")
    sub = lax.axis_index("s")
    batch = core * 2 + sub // 8
    gpos = sub % 8
    lane = lax.broadcasted_iota(jnp.int32, (_L,), 0)

    with jax.named_scope("sc_init"):
        neg1 = jnp.full((_L,), -1, jnp.int32)

        def init_step(i, _):
            for u in range(8):
                grid[pl.ds(i * (8 * _L) + u * _L, _L)] = neg1
            return 0
        lax.fori_loop(0, _NXY // (8 * _L), init_step, 0)

    tile_start = batch * _NPB + gpos * _NPT

    def point_vregs(nbase, nv, limit):
        def vstep(i, _):
            rowi = i * _L + lane
            s16 = pl.ds(i * _L, _L)
            x = xbuf[s16]
            y = ybuf[s16]
            z = zbuf[s16]
            vx = (x - _BXC_XY) / _DX_XY
            vy = (y - _BXC_XY) / _DX_XY
            vz = (z - _BXC_Z) / _DX_Z
            valid = ((vx > -1.0) & (vx < 256.0) & (vy > -1.0) & (vy < 256.0)
                     & (vz > -1.0) & (vz < 1.0))
            if limit is not None:
                valid = valid & (rowi < limit)
            cx = jnp.clip(vx, -1.0, 256.0).astype(jnp.int32)
            cy = jnp.clip(vy, -1.0, 256.0).astype(jnp.int32)
            ridx = (cy * 256 + cx) & (_NXY - 1)
            nglob = nbase + rowi
            plsc.store_scatter(grid, [ridx], nglob, mask=valid)
            return 0
        lax.fori_loop(0, nv, vstep, 0)

    with jax.named_scope("sc_phaseA"):
        bofs = batch * (_NPB * 4)
        nstart = gpos * _NPT

        def do_chunk(c, _):
            nb = nstart + c * _CH
            for k, buf in ((0, xbuf), (1, ybuf), (2, zbuf)):
                pltpu.sync_copy(ptab.at[pl.ds(bofs + k * _NPB + nb, _CH)], buf)
            point_vregs(nb, _CH // _L, None)
            return 0
        lax.fori_loop(0, _NFULL, do_chunk, 0)
        nb_t = nstart + _NFULL * _CH
        for k, buf in ((0, xbuf), (1, ybuf), (2, zbuf)):
            pltpu.sync_copy(ptab.at[pl.ds(bofs + k * _NPB + nb_t, _TAIL)],
                            buf.at[pl.ds(0, _TAIL)])
        point_vregs(nb_t, _TAILV, _TAIL)

    with jax.named_scope("sc_phaseB"):
        gid = core * _NS + sub
        pltpu.sync_copy(grid, ghbm.at[gid])
        plsc.subcore_barrier()
        rowbase = core * _NS + (sub // 8) * 8
        vs = gpos * _VPT
        pltpu.sync_copy(ghbm.at[rowbase, pl.ds(vs, _VPT)], wbuf)

        def merge_one(j, _):
            pltpu.sync_copy(ghbm.at[rowbase + j, pl.ds(vs, _VPT)], tmpbuf)

            def mstep(i, _):
                for u in range(8):
                    s = pl.ds(i * (8 * _L) + u * _L, _L)
                    wbuf[s] = jnp.maximum(wbuf[s], tmpbuf[s])
                return 0
            lax.fori_loop(0, _VPT // (8 * _L), mstep, 0)
            return 0
        lax.fori_loop(1, _TPB, merge_one, 0)
        pltpu.sync_copy(wbuf, wout.at[batch, 0, pl.ds(vs, _VPT)])

    with jax.named_scope("sc_phaseC"):
        _run_phase_c(ptab, gout, batch, vs, wbuf, idxbuf, gbuf, sem)


def _run_phase_c(ptab, gout, batch, vs, wbuf, idxbuf, gbuf, sem):
    lane = lax.broadcasted_iota(jnp.int32, (_L,), 0)

    def do_voxchunk(sc_i, _):
        vb = vs + sc_i * _VCH

        def kloop(k, _):
            kofs = batch * (_NPB * 4) + k * _NPB

            def istep(i, _):
                w16 = wbuf[pl.ds(sc_i * _VCH + i * _L, _L)]
                dummy = vb + i * _L + lane
                row = jnp.where(w16 >= 0, w16, dummy)
                idxv = kofs + row
                idxbuf[k * 16 + i // 8, pl.ds((i % 8) * _L, _L)] = idxv
                return 0
            lax.fori_loop(0, _VCH // _L, istep, 0)
            for j in range(16):
                pltpu.async_copy(ptab.at[idxbuf.at[k * 16 + j]],
                                 gbuf.at[k, pl.ds(j * 128, 128)], sem)
            return 0
        lax.fori_loop(0, 4, kloop, 0)

        def drain(d, _):
            pltpu.make_async_copy(
                ptab.at[pl.ds(0, 128)], gbuf.at[0, pl.ds(0, 128)], sem).wait()
            return 0
        lax.fori_loop(0, 64, drain, 0)
        pltpu.sync_copy(gbuf, gout.at[batch, :, pl.ds(vb, _VCH)])
        return 0
    lax.fori_loop(0, _VPT // _VCH, do_voxchunk, 0)


_sc_stage = pl.kernel(
    _sc_body,
    out_type=(jax.ShapeDtypeStruct((_NB, 4, _NXY), jnp.float32),
              jax.ShapeDtypeStruct((_NB, 1, _NXY), jnp.int32),
              jax.ShapeDtypeStruct((_NC * _NS, _NXY), jnp.int32)),
    mesh=plsc.VectorSubcoreMesh(core_axis_name="c", subcore_axis_name="s",
                                num_cores=_NC, num_subcores=_NS),
    compiler_params=pltpu.CompilerParams(needs_layout_passes=False),
    scratch_types=[
        pltpu.VMEM((_NXY,), jnp.int32),
        pltpu.VMEM((_CH,), jnp.float32),
        pltpu.VMEM((_CH,), jnp.float32),
        pltpu.VMEM((_CH,), jnp.float32),
        pltpu.VMEM((64, 128), jnp.int32),
        pltpu.VMEM((4, _VCH), jnp.float32),
        pltpu.VMEM((_VPT,), jnp.int32),
        pltpu.VMEM((_VPT,), jnp.int32),
        pltpu.SemaphoreType.DMA,
    ],
)


def _tc_body(w2_ref, b2_ref, g_ref, m_ref, o_ref):
    gblk = g_ref[0]
    msk = m_ref[0] >= 0
    w2 = w2_ref[...]
    acc = b2_ref[...] + w2[:, 0:1] * gblk[0:1]
    acc = acc + w2[:, 1:2] * gblk[1:2]
    acc = acc + w2[:, 2:3] * gblk[2:3]
    acc = acc + w2[:, 3:4] * gblk[3:4]
    acc = jnp.maximum(acc, 0.0)
    res = jnp.where(msk, acc, 0.0)
    o_ref[0] = res.reshape(_CB, _TCV // 256, 256)


_TCV = 4096
_tc_stage = pl.pallas_call(
    _tc_body,
    grid=(_NB, _NXY // _TCV),
    in_specs=[
        pl.BlockSpec((_CB, 4), lambda bi, vi: (0, 0)),
        pl.BlockSpec((_CB, 1), lambda bi, vi: (0, 0)),
        pl.BlockSpec((1, 4, _TCV), lambda bi, vi: (bi, 0, vi)),
        pl.BlockSpec((1, 1, _TCV), lambda bi, vi: (bi, 0, vi)),
    ],
    out_specs=pl.BlockSpec((1, _CB, _TCV // 256, 256),
                           lambda bi, vi: (bi, 0, vi, 0)),
    out_shape=jax.ShapeDtypeStruct((_NB, _CB, 256, 256), jnp.float32),
)


def kernel(points, W, b, gamma, beta, running_mean, running_var):
    B, N, C = points.shape
    pts_flat = jnp.transpose(points, (0, 2, 1)).reshape(B * C * N)
    gathered, winner, _ = _sc_stage(pts_flat)
    s = gamma / jnp.sqrt(running_var + 1e-5)
    W2 = W * s[:, None]
    b2 = ((b - running_mean) * s + beta)[:, None]
    return _tc_stage(W2, b2, gathered, winner)

# --- scband reference (transcript-rebuilt; emitter-appended) ---
"""Pipeline reference for scband-simple-point-pillars-81372450390075 (READ-ONLY COPY).

The authoritative reference and input builder live on the scoring server;
editing this copy changes nothing except your own understanding.
"""

import jax, jax.numpy as jnp
import numpy as np

XB = (-51.2, 51.2, 0.4)
YB = (-51.2, 51.2, 0.4)
ZB = (-5.0, 3.0, 8.0)
CBEV = 64
DX = jnp.array([XB[2], YB[2], ZB[2]], dtype=jnp.float32)
BX = jnp.array([XB[0] + XB[2] / 2.0, YB[0] + YB[2] / 2.0, ZB[0] + ZB[2] / 2.0], dtype=jnp.float32)
NX0 = int((XB[1] - XB[0]) / XB[2])  # 256
NX1 = int((YB[1] - YB[0]) / YB[2])  # 256
NX2 = int((ZB[1] - ZB[0]) / ZB[2])  # 1


def setup_inputs(seed: int = 0) -> dict:
    key = jax.random.key(seed)
    k1, k2, k3 = jax.random.split(key, 3)
    points = jax.random.normal(k1, (4, 120000, 4), dtype=jnp.float32)
    W = jax.random.normal(k2, (CBEV, 4), dtype=jnp.float32) * 0.1
    b = jax.random.normal(k3, (CBEV,), dtype=jnp.float32) * 0.01
    gamma = jnp.ones((CBEV,), dtype=jnp.float32)
    beta = jnp.zeros((CBEV,), dtype=jnp.float32)
    running_mean = jnp.zeros((CBEV,), dtype=jnp.float32)
    running_var = jnp.ones((CBEV,), dtype=jnp.float32)
    return {"points": points, "W": W, "b": b, "gamma": gamma, "beta": beta,
            "running_mean": running_mean, "running_var": running_var}


def reference(points, W, b, gamma, beta, running_mean, running_var):
    B, N, C = points.shape
    flat = points.reshape(-1, C)
    # PFN: Linear(4, CBEV) -> BatchNorm1d (eval mode, running stats) -> ReLU
    x = flat @ W.T + b
    x = (x - running_mean) / jnp.sqrt(running_var + 1e-5) * gamma + beta
    feat = jnp.maximum(x, 0.0)
    # grid coords; torch .long() truncates toward zero, matched by astype(int64)
    coords = ((flat[:, :3] - (BX - DX / 2.0)) / DX).astype(jnp.int64)
    valid = ((coords[:, 0] >= 0) & (coords[:, 0] < NX0)
             & (coords[:, 1] >= 0) & (coords[:, 1] < NX1)
             & (coords[:, 2] >= 0) & (coords[:, 2] < NX2))
    batch_ix = jnp.repeat(jnp.arange(B, dtype=jnp.int64), N)
    nxtot = NX0 * NX1 * NX2
    ranks = batch_ix * nxtot + coords[:, 0] + coords[:, 1] * NX0 + coords[:, 2] * NX0 * NX1
    flat_size = B * nxtot
    # fixed-shape equivalent of the torch boolean compaction: invalid points get
    # sentinel rank == flat_size (sorts past all valid ranks) and zeroed features,
    # so all cumsum partial sums over the valid prefix are bit-identical.
    ranks_eff = jnp.where(valid, ranks, flat_size)
    feat_eff = jnp.where(valid[:, None], feat, 0.0)
    order = jnp.argsort(ranks_eff)
    feat_s = feat_eff[order]
    ranks_s = ranks_eff[order]
    last = jnp.concatenate([ranks_s[1:] != ranks_s[:-1], jnp.array([True])])
    csum = jnp.cumsum(feat_s, axis=0)
    csum = jnp.concatenate([jnp.zeros((1, CBEV), dtype=feat_s.dtype), csum], axis=0)
    diffs = csum[1:] - csum[:-1]  # == per-position feature via the cumsum trick
    scatter_idx = jnp.where(last & (ranks_s < flat_size), ranks_s, flat_size)
    bev = jnp.zeros((flat_size + 1, CBEV), dtype=feat_s.dtype).at[scatter_idx].set(diffs)
    bev = bev[:flat_size].reshape(B, NX2, NX1, NX0, CBEV)
    bev = jnp.transpose(bev, (0, 4, 1, 2, 3))
    return bev.sum(axis=2)

if __name__ == "__main__":
    import jax
    _d = setup_inputs()
    print(jax.jit(kernel)(*tuple(_d.values())))

</pallas_src>

<mosaic_0001>
#map = affine_map<(d0, d1) -> (0)>
#map1 = affine_map<(d0, d1) -> (0, 0, 0)>
#map2 = affine_map<(d0, d1) -> (0, 0)>
module attributes {stable_mosaic.version = 14 : i64} {
  func.func @_sc_body(%arg0: i32, %arg1: i32, %arg2: memref<1920000xf32, #tpu.memory_space<hbm>>, %arg3: memref<4x4x65536xf32, #tpu.memory_space<hbm>>, %arg4: memref<4x1x65536xi32, #tpu.memory_space<hbm>>, %arg5: memref<32x65536xi32, #tpu.memory_space<hbm>>, %arg6: memref<65536xi32, #tpu.memory_space<vmem>>, %arg7: memref<2048xf32, #tpu.memory_space<vmem>>, %arg8: memref<2048xf32, #tpu.memory_space<vmem>>, %arg9: memref<2048xf32, #tpu.memory_space<vmem>>, %arg10: memref<64x128xi32, #tpu.memory_space<vmem>>, %arg11: memref<4x2048xf32, #tpu.memory_space<vmem>>, %arg12: memref<8192xi32, #tpu.memory_space<vmem>>, %arg13: memref<8192xi32, #tpu.memory_space<vmem>>, %arg14: memref<!tpu.dma_semaphore, #tpu.memory_space<semaphore_mem>>) attributes {dimension_semantics = [#tpu.dimension_semantics<core_parallel>, #tpu.dimension_semantics<subcore_parallel>], iteration_bounds = array<i64: 2, 16>, scalar_prefetch = 0 : i64, scratch_operands = 9 : i64, tpu.core_type = #tpu.core_type<sc_vector_subcore>, window_params = [{transform_indices = #map}, {transform_indices = #map1}, {transform_indices = #map1}, {transform_indices = #map2}]} {
    %mul3A = arith.constant 2 : i32
    %mul3A_0 = arith.muli %arg0, %mul3A : i32
    %jit3A = arith.constant 8 : i32
    %div3A = arith.divsi %arg1, %jit3A : i32
    %sign3A = arith.constant 0 : i32
    %sign3A_1 = arith.cmpi sgt, %arg1, %sign3A : i32
    %sign3A_2 = arith.extui %sign3A_1 : i1 to i32
    %sign3A_3 = arith.constant 0 : i32
    %sign3A_4 = arith.cmpi slt, %arg1, %sign3A_3 : i32
    %sign3A_5 = arith.extui %sign3A_4 : i1 to i32
    %sign3A_6 = arith.subi %sign3A_2, %sign3A_5 : i32
    %sign3A_7 = arith.constant 0 : i32
    %sign3A_8 = arith.cmpi sgt, %jit3A, %sign3A_7 : i32
    %sign3A_9 = arith.extui %sign3A_8 : i1 to i32
    %sign3A_10 = arith.constant 0 : i32
    %sign3A_11 = arith.cmpi slt, %jit3A, %sign3A_10 : i32
    %sign3A_12 = arith.extui %sign3A_11 : i1 to i32
    %sign3A_13 = arith.subi %sign3A_9, %sign3A_12 : i32
    %ne3A = arith.cmpi ne, %sign3A_6, %sign3A_13 : i32
    %rem3A = arith.remsi %arg1, %jit3A : i32
    %ne3A_14 = arith.constant 0 : i32
    %ne3A_15 = arith.cmpi ne, %rem3A, %ne3A_14 : i32
    %and3A = arith.andi %ne3A, %ne3A_15 : i1
    %sub3A = arith.constant 1 : i32
    %sub3A_16 = arith.subi %div3A, %sub3A : i32
    %select_n3A = arith.select %and3A, %sub3A_16, %div3A : i32
    %add3A = arith.addi %mul3A_0, %select_n3A : i32
    %jit3A_17 = arith.constant 8 : i32
    %eq3A = arith.constant 0 : i32
    %eq3A_18 = arith.cmpi eq, %jit3A_17, %eq3A : i32
    %jit3A_19 = arith.constant 1 : i32
    %select_n3A_20 = arith.select %eq3A_18, %jit3A_19, %jit3A_17 : i32
    %rem3A_21 = arith.remsi %arg1, %select_n3A_20 : i32
    %ne3A_22 = arith.constant 0 : i32
    %ne3A_23 = arith.cmpi ne, %rem3A_21, %ne3A_22 : i32
    %lt3A = arith.constant 0 : i32
    %lt3A_24 = arith.cmpi slt, %rem3A_21, %lt3A : i32
    %lt3A_25 = arith.constant 0 : i32
    %lt3A_26 = arith.cmpi slt, %select_n3A_20, %lt3A_25 : i32
    %ne3A_27 = arith.xori %lt3A_24, %lt3A_26 : i1
    %and3A_28 = arith.andi %ne3A_27, %ne3A_23 : i1
    %add3A_29 = arith.addi %rem3A_21, %select_n3A_20 : i32
    %select_n3A_30 = arith.select %and3A_28, %add3A_29, %rem3A_21 : i32
    %iota3A = tpu.iota {dimensions = array<i32: 0>} : vector<16xi32>
    %broadcast_in_dim3A = arith.constant -1 : i32
    "tpu.trace_start"() <{level = 10 : i32, message = "sc_init"}> : () -> ()
    %broadcast_in_dim3A_31 = vector.broadcast %broadcast_in_dim3A : i32 to vector<16xi32>
    %scan3A = arith.constant 0 : i32
    %scan3A_32 = arith.constant 0 : i32
    %scan3A_33 = arith.constant 512 : i32
    %scan3A_34 = arith.addi %scan3A_32, %scan3A_33 : i32
    %scan3A_35 = arith.constant 1 : i32
    %scan3A_36 = scf.for %scan3A_121 = %scan3A_32 to %scan3A_34 step %scan3A_35 iter_args(%scan3A_122 = %scan3A) -> (i32)  : i32 {
      %mul3A_123 = arith.constant 128 : i32
      %mul3A_124 = arith.muli %scan3A_121, %mul3A_123 : i32
      %add3A_125 = arith.constant 0 : i32
      %add3A_126 = arith.addi %mul3A_124, %add3A_125 : i32
      %swap3A = arith.index_cast %add3A_126 : i32 to index
      %swap3A_127 = tpu.vector_load %arg6[%swap3A] {strides = array<i32>} : memref<65536xi32, #tpu.memory_space<vmem>>, vector<16xi32>,
      tpu.vector_store %arg6[%swap3A], %broadcast_in_dim3A_31 {strides = array<i32>} : memref<65536xi32, #tpu.memory_space<vmem>>, vector<16xi32>,
      %mul3A_128 = arith.constant 128 : i32
      %mul3A_129 = arith.muli %scan3A_121, %mul3A_128 : i32
      %add3A_130 = arith.constant 16 : i32
      %add3A_131 = arith.addi %mul3A_129, %add3A_130 : i32
      %swap3A_132 = arith.index_cast %add3A_131 : i32 to index
      %swap3A_133 = tpu.vector_load %arg6[%swap3A_132] {strides = array<i32>} : memref<65536xi32, #tpu.memory_space<vmem>>, vector<16xi32>,
      tpu.vector_store %arg6[%swap3A_132], %broadcast_in_dim3A_31 {strides = array<i32>} : memref<65536xi32, #tpu.memory_space<vmem>>, vector<16xi32>,
      %mul3A_134 = arith.constant 128 : i32
      %mul3A_135 = arith.muli %scan3A_121, %mul3A_134 : i32
      %add3A_136 = arith.constant 32 : i32
      %add3A_137 = arith.addi %mul3A_135, %add3A_136 : i32
      %swap3A_138 = arith.index_cast %add3A_137 : i32 to index
      %swap3A_139 = tpu.vector_load %arg6[%swap3A_138] {strides = array<i32>} : memref<65536xi32, #tpu.memory_space<vmem>>, vector<16xi32>,
      tpu.vector_store %arg6[%swap3A_138], %broadcast_in_dim3A_31 {strides = array<i32>} : memref<65536xi32, #tpu.memory_space<vmem>>, vector<16xi32>,
      %mul3A_140 = arith.constant 128 : i32
      %mul3A_141 = arith.muli %scan3A_121, %mul3A_140 : i32
      %add3A_142 = arith.constant 48 : i32
      %add3A_143 = arith.addi %mul3A_141, %add3A_142 : i32
      %swap3A_144 = arith.index_cast %add3A_143 : i32 to index
      %swap3A_145 = tpu.vector_load %arg6[%swap3A_144] {strides = array<i32>} : memref<65536xi32, #tpu.memory_space<vmem>>, vector<16xi32>,
      tpu.vector_store %arg6[%swap3A_144], %broadcast_in_dim3A_31 {strides = array<i32>} : memref<65536xi32, #tpu.memory_space<vmem>>, vector<16xi32>,
      %mul3A_146 = arith.constant 128 : i32
      %mul3A_147 = arith.muli %scan3A_121, %mul3A_146 : i32
      %add3A_148 = arith.constant 64 : i32
      %add3A_149 = arith.addi %mul3A_147, %add3A_148 : i32
      %swap3A_150 = arith.index_cast %add3A_149 : i32 to index
      %swap3A_151 = tpu.vector_load %arg6[%swap3A_150] {strides = array<i32>} : memref<65536xi32, #tpu.memory_space<vmem>>, vector<16xi32>,
      tpu.vector_store %arg6[%swap3A_150], %broadcast_in_dim3A_31 {strides = array<i32>} : memref<65536xi32, #tpu.memory_space<vmem>>, vector<16xi32>,
      %mul3A_152 = arith.constant 128 : i32
      %mul3A_153 = arith.muli %scan3A_121, %mul3A_152 : i32
      %add3A_154 = arith.constant 80 : i32
      %add3A_155 = arith.addi %mul3A_153, %add3A_154 : i32
      %swap3A_156 = arith.index_cast %add3A_155 : i32 to index
      %swap3A_157 = tpu.vector_load %arg6[%swap3A_156] {strides = array<i32>} : memref<65536xi32, #tpu.memory_space<vmem>>, vector<16xi32>,
      tpu.vector_store %arg6[%swap3A_156], %broadcast_in_dim3A_31 {strides = array<i32>} : memref<65536xi32, #tpu.memory_space<vmem>>, vector<16xi32>,
      %mul3A_158 = arith.constant 128 : i32
      %mul3A_159 = arith.muli %scan3A_121, %mul3A_158 : i32
      %add3A_160 = arith.constant 96 : i32
      %add3A_161 = arith.addi %mul3A_159, %add3A_160 : i32
      %swap3A_162 = arith.index_cast %add3A_161 : i32 to index
      %swap3A_163 = tpu.vector_load %arg6[%swap3A_162] {strides = array<i32>} : memref<65536xi32, #tpu.memory_space<vmem>>, vector<16xi32>,
      tpu.vector_store %arg6[%swap3A_162], %broadcast_in_dim3A_31 {strides = array<i32>} : memref<65536xi32, #tpu.memory_space<vmem>>, vector<16xi32>,
      %mul3A_164 = arith.constant 128 : i32
      %mul3A_165 = arith.muli %scan3A_121, %mul3A_164 : i32
      %add3A_166 = arith.constant 112 : i32
      %add3A_167 = arith.addi %mul3A_165, %add3A_166 : i32
      %swap3A_168 = arith.index_cast %add3A_167 : i32 to index
      %swap3A_169 = tpu.vector_load %arg6[%swap3A_168] {strides = array<i32>} : memref<65536xi32, #tpu.memory_space<vmem>>, vector<16xi32>,
      tpu.vector_store %arg6[%swap3A_168], %broadcast_in_dim3A_31 {strides = array<i32>} : memref<65536xi32, #tpu.memory_space<vmem>>, vector<16xi32>,
      %scan3A_170 = arith.constant 0 : i32
      scf.yield %scan3A_170 : i32
    }
    %scan3A_37 = arith.constant 512 : i32
    "tpu.trace_stop"() : () -> ()
    %mul3A_38 = arith.constant 120000 : i32
    %mul3A_39 = arith.muli %add3A, %mul3A_38 : i32
    %mul3A_40 = arith.constant 15000 : i32
    %mul3A_41 = arith.muli %select_n3A_30, %mul3A_40 : i32
    %add3A_42 = arith.addi %mul3A_39, %mul3A_41 : i32
    "tpu.trace_start"() <{level = 10 : i32, message = "sc_phaseA"}> : () -> ()
    %mul3A_43 = arith.constant 480000 : i32
    %mul3A_44 = arith.muli %add3A, %mul3A_43 : i32
    %mul3A_45 = arith.constant 15000 : i32
    %mul3A_46 = arith.muli %select_n3A_30, %mul3A_45 : i32
    %scan3A_47 = arith.constant 0 : i32
    %scan3A_48 = arith.constant 0 : i32
    %scan3A_49 = arith.constant 7 : i32
    %scan3A_50 = arith.addi %scan3A_48, %scan3A_49 : i32
    %scan3A_51 = arith.constant 1 : i32
    %scan3A_52 = scf.for %scan3A_121 = %scan3A_48 to %scan3A_50 step %scan3A_51 iter_args(%scan3A_122 = %scan3A_47) -> (i32)  : i32 {
      %mul3A_123 = arith.constant 2048 : i32
      %mul3A_124 = arith.muli %scan3A_121, %mul3A_123 : i32
      %add3A_125 = arith.addi %mul3A_46, %mul3A_124 : i32
      %add3A_126 = arith.constant 0 : i32
      %add3A_127 = arith.addi %mul3A_44, %add3A_126 : i32
      %add3A_128 = arith.addi %add3A_127, %add3A_125 : i32
      "tpu.region"() ({
        %run_scoped3A_143 = tpu.sem_alloc : memref<!tpu.dma_semaphore, #tpu.memory_space<semaphore_mem>>
        %dma_start3A = tpu.memref_slice %arg2[%add3A_128] : memref<1920000xf32, #tpu.memory_space<hbm>> -> memref<2048xf32, #tpu.memory_space<hbm>>
        %dma_start3A_144 = tpu.memref_slice %arg2[%add3A_128] : memref<1920000xf32, #tpu.memory_space<hbm>> -> memref<2048xf32, #tpu.memory_space<hbm>>
        tpu.enqueue_dma source(%dma_start3A_144 : memref<2048xf32, #tpu.memory_space<hbm>>) target(%arg7 : memref<2048xf32, #tpu.memory_space<vmem>>) target_semaphore(%run_scoped3A_143 : memref<!tpu.dma_semaphore, #tpu.memory_space<semaphore_mem>>)
        %dma_wait3A = tpu.memref_slice %arg2[%add3A_128] : memref<1920000xf32, #tpu.memory_space<hbm>> -> memref<2048xf32, #tpu.memory_space<hbm>>
        %dma_wait3A_145 = tpu.memref_slice %arg2[%add3A_128] : memref<1920000xf32, #tpu.memory_space<hbm>> -> memref<2048xf32, #tpu.memory_space<hbm>>
        tpu.wait_dma2 semaphore(%run_scoped3A_143 : memref<!tpu.dma_semaphore, #tpu.memory_space<semaphore_mem>>) src(%dma_wait3A_145 : memref<2048xf32, #tpu.memory_space<hbm>>) dst(%arg7 : memref<2048xf32, #tpu.memory_space<vmem>>)
        tpu.yield
      }) : () -> ()
      %add3A_129 = arith.constant 120000 : i32
      %add3A_130 = arith.addi %mul3A_44, %add3A_129 : i32
      %add3A_131 = arith.addi %add3A_130, %add3A_125 : i32
      "tpu.region"() ({
        %run_scoped3A_143 = tpu.sem_alloc : memref<!tpu.dma_semaphore, #tpu.memory_space<semaphore_mem>>
        %dma_start3A = tpu.memref_slice %arg2[%add3A_131] : memref<1920000xf32, #tpu.memory_space<hbm>> -> memref<2048xf32, #tpu.memory_space<hbm>>
        %dma_start3A_144 = tpu.memref_slice %arg2[%add3A_131] : memref<1920000xf32, #tpu.memory_space<hbm>> -> memref<2048xf32, #tpu.memory_space<hbm>>
        tpu.enqueue_dma source(%dma_start3A_144 : memref<2048xf32, #tpu.memory_space<hbm>>) target(%arg8 : memref<2048xf32, #tpu.memory_space<vmem>>) target_semaphore(%run_scoped3A_143 : memref<!tpu.dma_semaphore, #tpu.memory_space<semaphore_mem>>)
        %dma_wait3A = tpu.memref_slice %arg2[%add3A_131] : memref<1920000xf32, #tpu.memory_space<hbm>> -> memref<2048xf32, #tpu.memory_space<hbm>>
        %dma_wait3A_145 = tpu.memref_slice %arg2[%add3A_131] : memref<1920000xf32, #tpu.memory_space<hbm>> -> memref<2048xf32, #tpu.memory_space<hbm>>
        tpu.wait_dma2 semaphore(%run_scoped3A_143 : memref<!tpu.dma_semaphore, #tpu.memory_space<semaphore_mem>>) src(%dma_wait3A_145 : memref<2048xf32, #tpu.memory_space<hbm>>) dst(%arg8 : memref<2048xf32, #tpu.memory_space<vmem>>)
        tpu.yield
      }) : () -> ()
      %add3A_132 = arith.constant 240000 : i32
      %add3A_133 = arith.addi %mul3A_44, %add3A_132 : i32
      %add3A_134 = arith.addi %add3A_133, %add3A_125 : i32
      "tpu.region"() ({
        %run_scoped3A_143 = tpu.sem_alloc : memref<!tpu.dma_semaphore, #tpu.memory_space<semaphore_mem>>
        %dma_start3A = tpu.memref_slice %arg2[%add3A_134] : memref<1920000xf32, #tpu.memory_space<hbm>> -> memref<2048xf32, #tpu.memory_space<hbm>>
        %dma_start3A_144 = tpu.memref_slice %arg2[%add3A_134] : memref<1920000xf32, #tpu.memory_space<hbm>> -> memref<2048xf32, #tpu.memory_space<hbm>>
        tpu.enqueue_dma source(%dma_start3A_144 : memref<2048xf32, #tpu.memory_space<hbm>>) target(%arg9 : memref<2048xf32, #tpu.memory_space<vmem>>) target_semaphore(%run_scoped3A_143 : memref<!tpu.dma_semaphore, #tpu.memory_space<semaphore_mem>>)
        %dma_wait3A = tpu.memref_slice %arg2[%add3A_134] : memref<1920000xf32, #tpu.memory_space<hbm>> -> memref<2048xf32, #tpu.memory_space<hbm>>
        %dma_wait3A_145 = tpu.memref_slice %arg2[%add3A_134] : memref<1920000xf32, #tpu.memory_space<hbm>> -> memref<2048xf32, #tpu.memory_space<hbm>>
        tpu.wait_dma2 semaphore(%run_scoped3A_143 : memref<!tpu.dma_semaphore, #tpu.memory_space<semaphore_mem>>) src(%dma_wait3A_145 : memref<2048xf32, #tpu.memory_space<hbm>>) dst(%arg9 : memref<2048xf32, #tpu.memory_space<vmem>>)
        tpu.yield
      }) : () -> ()
      %scan3A_135 = arith.constant 0 : i32
      %scan3A_136 = arith.constant 0 : i32
      %scan3A_137 = arith.constant 128 : i32
      %scan3A_138 = arith.addi %scan3A_136, %scan3A_137 : i32
      %scan3A_139 = arith.constant 1 : i32
      %scan3A_140 = scf.for %scan3A_143 = %scan3A_136 to %scan3A_138 step %scan3A_139 iter_args(%scan3A_144 = %scan3A_135) -> (i32)  : i32 {
        %mul3A_145 = arith.constant 16 : i32
        %mul3A_146 = arith.muli %scan3A_143, %mul3A_145 : i32
        %add3A_147 = vector.broadcast %mul3A_146 : i32 to vector<16xi32>
        %add3A_148 = arith.addi %add3A_147, %iota3A : vector<16xi32>
        %mul3A_149 = arith.constant 16 : i32
        %mul3A_150 = arith.muli %scan3A_143, %mul3A_149 : i32
        %get3A = arith.index_cast %mul3A_150 : i32 to index
        %get3A_151 = tpu.vector_load %arg7[%get3A] {strides = array<i32>} : memref<2048xf32, #tpu.memory_space<vmem>>, vector<16xf32>,
        %get3A_152 = arith.index_cast %mul3A_150 : i32 to index
        %get3A_153 = tpu.vector_load %arg8[%get3A_152] {strides = array<i32>} : memref<2048xf32, #tpu.memory_space<vmem>>, vector<16xf32>,
        %get3A_154 = arith.index_cast %mul3A_150 : i32 to index
        %get3A_155 = tpu.vector_load %arg9[%get3A_154] {strides = array<i32>} : memref<2048xf32, #tpu.memory_space<vmem>>, vector<16xf32>,
        %sub3A_156 = arith.constant -5.120000e+01 : f32
        %sub3A_157 = vector.broadcast %sub3A_156 : f32 to vector<16xf32>
        %sub3A_158 = arith.subf %get3A_151, %sub3A_157 : vector<16xf32>
        %div3A_159 = arith.constant 4.000000e-01 : f32
        %div3A_160 = vector.broadcast %div3A_159 : f32 to vector<16xf32>
        %div3A_161 = arith.divf %sub3A_158, %div3A_160 : vector<16xf32>
        %sub3A_162 = arith.constant -5.120000e+01 : f32
        %sub3A_163 = vector.broadcast %sub3A_162 : f32 to vector<16xf32>
        %sub3A_164 = arith.subf %get3A_153, %sub3A_163 : vector<16xf32>
        %div3A_165 = arith.constant 4.000000e-01 : f32
        %div3A_166 = vector.broadcast %div3A_165 : f32 to vector<16xf32>
        %div3A_167 = arith.divf %sub3A_164, %div3A_166 : vector<16xf32>
        %sub3A_168 = arith.constant -5.000000e+00 : f32
        %sub3A_169 = vector.broadcast %sub3A_168 : f32 to vector<16xf32>
        %sub3A_170 = arith.subf %get3A_155, %sub3A_169 : vector<16xf32>
        %div3A_171 = arith.constant 8.000000e+00 : f32
        %div3A_172 = vector.broadcast %div3A_171 : f32 to vector<16xf32>
        %div3A_173 = arith.divf %sub3A_170, %div3A_172 : vector<16xf32>
        %gt3A = arith.constant -1.000000e+00 : f32
        %gt3A_174 = vector.broadcast %gt3A : f32 to vector<16xf32>
        %gt3A_175 = arith.cmpf ogt, %div3A_161, %gt3A_174 : vector<16xf32>
        %lt3A_176 = arith.constant 2.560000e+02 : f32
        %lt3A_177 = vector.broadcast %lt3A_176 : f32 to vector<16xf32>
        %lt3A_178 = arith.cmpf olt, %div3A_161, %lt3A_177 : vector<16xf32>
        %and3A_179 = arith.andi %gt3A_175, %lt3A_178 : vector<16xi1>
        %gt3A_180 = arith.constant -1.000000e+00 : f32
        %gt3A_181 = vector.broadcast %gt3A_180 : f32 to vector<16xf32>
        %gt3A_182 = arith.cmpf ogt, %div3A_167, %gt3A_181 : vector<16xf32>
        %and3A_183 = arith.andi %and3A_179, %gt3A_182 : vector<16xi1>
        %lt3A_184 = arith.constant 2.560000e+02 : f32
        %lt3A_185 = vector.broadcast %lt3A_184 : f32 to vector<16xf32>
        %lt3A_186 = arith.cmpf olt, %div3A_167, %lt3A_185 : vector<16xf32>
        %and3A_187 = arith.andi %and3A_183, %lt3A_186 : vector<16xi1>
        %gt3A_188 = arith.constant -1.000000e+00 : f32
        %gt3A_189 = vector.broadcast %gt3A_188 : f32 to vector<16xf32>
        %gt3A_190 = arith.cmpf ogt, %div3A_173, %gt3A_189 : vector<16xf32>
        %and3A_191 = arith.andi %and3A_187, %gt3A_190 : vector<16xi1>
        %lt3A_192 = arith.constant 1.000000e+00 : f32
        %lt3A_193 = vector.broadcast %lt3A_192 : f32 to vector<16xf32>
        %lt3A_194 = arith.cmpf olt, %div3A_173, %lt3A_193 : vector<16xf32>
        %and3A_195 = arith.andi %and3A_191, %lt3A_194 : vector<16xi1>
        %jit3A_196 = arith.constant -1.000000e+00 : f32
        %jit3A_197 = arith.constant 2.560000e+02 : f32
        %max3A = vector.broadcast %jit3A_196 : f32 to vector<16xf32>
        %max3A_198 = arith.maximumf %max3A, %div3A_161 : vector<16xf32>
        %min3A = vector.broadcast %jit3A_197 : f32 to vector<16xf32>
        %min3A_199 = arith.minimumf %min3A, %max3A_198 : vector<16xf32>
        %convert_element_type3A = arith.fptosi %min3A_199 : vector<16xf32> to vector<16xi32>
        %jit3A_200 = arith.constant -1.000000e+00 : f32
        %jit3A_201 = arith.constant 2.560000e+02 : f32
        %max3A_202 = vector.broadcast %jit3A_200 : f32 to vector<16xf32>
        %max3A_203 = arith.maximumf %max3A_202, %div3A_167 : vector<16xf32>
        %min3A_204 = vector.broadcast %jit3A_201 : f32 to vector<16xf32>
        %min3A_205 = arith.minimumf %min3A_204, %max3A_203 : vector<16xf32>
        %convert_element_type3A_206 = arith.fptosi %min3A_205 : vector<16xf32> to vector<16xi32>
        %mul3A_207 = arith.constant 256 : i32
        %mul3A_208 = vector.broadcast %mul3A_207 : i32 to vector<16xi32>
        %mul3A_209 = arith.muli %convert_element_type3A_206, %mul3A_208 : vector<16xi32>
        %add3A_210 = arith.addi %mul3A_209, %convert_element_type3A : vector<16xi32>
        %and3A_211 = arith.constant 65535 : i32
        %and3A_212 = vector.broadcast %and3A_211 : i32 to vector<16xi32>
        %and3A_213 = arith.andi %add3A_210, %and3A_212 : vector<16xi32>
        %add3A_214 = vector.broadcast %add3A_125 : i32 to vector<16xi32>
        %add3A_215 = arith.addi %add3A_214, %add3A_148 : vector<16xi32>
        tpu.vector_store_idx %arg6[%and3A_213], %add3A_215 masked %and3A_195 : memref<65536xi32, #tpu.memory_space<vmem>>[vector<16xi32>], vector<16xi32>, vector<16xi1>
        %scan3A_216 = arith.constant 0 : i32
        scf.yield %scan3A_216 : i32
      }
      %scan3A_141 = arith.constant 128 : i32
      %scan3A_142 = arith.constant 0 : i32
      scf.yield %scan3A_142 : i32
    }
    %scan3A_53 = arith.constant 7 : i32
    %add3A_54 = arith.constant 14336 : i32
    %add3A_55 = arith.addi %mul3A_46, %add3A_54 : i32
    %add3A_56 = arith.constant 0 : i32
    %add3A_57 = arith.addi %mul3A_44, %add3A_56 : i32
    %add3A_58 = arith.addi %add3A_57, %add3A_55 : i32
    "tpu.region"() ({
      %run_scoped3A_121 = tpu.sem_alloc : memref<!tpu.dma_semaphore, #tpu.memory_space<semaphore_mem>>
      %dma_start3A = arith.constant 0 : i32
      %dma_start3A_122 = tpu.memref_slice %arg7[%dma_start3A] : memref<2048xf32, #tpu.memory_space<vmem>> -> memref<664xf32, #tpu.memory_space<vmem>>
      %dma_start3A_123 = tpu.memref_slice %arg2[%add3A_58] : memref<1920000xf32, #tpu.memory_space<hbm>> -> memref<664xf32, #tpu.memory_space<hbm>>
      %dma_start3A_124 = arith.constant 0 : i32
      %dma_start3A_125 = tpu.memref_slice %arg7[%dma_start3A_124] : memref<2048xf32, #tpu.memory_space<vmem>> -> memref<664xf32, #tpu.memory_space<vmem>>
      %dma_start3A_126 = tpu.memref_slice %arg2[%add3A_58] : memref<1920000xf32, #tpu.memory_space<hbm>> -> memref<664xf32, #tpu.memory_space<hbm>>
      tpu.enqueue_dma source(%dma_start3A_126 : memref<664xf32, #tpu.memory_space<hbm>>) target(%dma_start3A_125 : memref<664xf32, #tpu.memory_space<vmem>>) target_semaphore(%run_scoped3A_121 : memref<!tpu.dma_semaphore, #tpu.memory_space<semaphore_mem>>)
      %dma_wait3A = arith.constant 0 : i32
      %dma_wait3A_127 = tpu.memref_slice %arg7[%dma_wait3A] : memref<2048xf32, #tpu.memory_space<vmem>> -> memref<664xf32, #tpu.memory_space<vmem>>
      %dma_wait3A_128 = tpu.memref_slice %arg2[%add3A_58] : memref<1920000xf32, #tpu.memory_space<hbm>> -> memref<664xf32, #tpu.memory_space<hbm>>
      %dma_wait3A_129 = arith.constant 0 : i32
      %dma_wait3A_130 = tpu.memref_slice %arg7[%dma_wait3A_129] : memref<2048xf32, #tpu.memory_space<vmem>> -> memref<664xf32, #tpu.memory_space<vmem>>
      %dma_wait3A_131 = tpu.memref_slice %arg2[%add3A_58] : memref<1920000xf32, #tpu.memory_space<hbm>> -> memref<664xf32, #tpu.memory_space<hbm>>
      tpu.wait_dma2 semaphore(%run_scoped3A_121 : memref<!tpu.dma_semaphore, #tpu.memory_space<semaphore_mem>>) src(%dma_wait3A_131 : memref<664xf32, #tpu.memory_space<hbm>>) dst(%dma_wait3A_130 : memref<664xf32, #tpu.memory_space<vmem>>)
      tpu.yield
    }) : () -> ()
    %add3A_59 = arith.constant 120000 : i32
    %add3A_60 = arith.addi %mul3A_44, %add3A_59 : i32
    %add3A_61 = arith.addi %add3A_60, %add3A_55 : i32
    "tpu.region"() ({
      %run_scoped3A_121 = tpu.sem_alloc : memref<!tpu.dma_semaphore, #tpu.memory_space<semaphore_mem>>
      %dma_start3A = arith.constant 0 : i32
      %dma_start3A_122 = tpu.memref_slice %arg8[%dma_start3A] : memref<2048xf32, #tpu.memory_space<vmem>> -> memref<664xf32, #tpu.memory_space<vmem>>
      %dma_start3A_123 = tpu.memref_slice %arg2[%add3A_61] : memref<1920000xf32, #tpu.memory_space<hbm>> -> memref<664xf32, #tpu.memory_space<hbm>>
      %dma_start3A_124 = arith.constant 0 : i32
      %dma_start3A_125 = tpu.memref_slice %arg8[%dma_start3A_124] : memref<2048xf32, #tpu.memory_space<vmem>> -> memref<664xf32, #tpu.memory_space<vmem>>
      %dma_start3A_126 = tpu.memref_slice %arg2[%add3A_61] : memref<1920000xf32, #tpu.memory_space<hbm>> -> memref<664xf32, #tpu.memory_space<hbm>>
      tpu.enqueue_dma source(%dma_start3A_126 : memref<664xf32, #tpu.memory_space<hbm>>) target(%dma_start3A_125 : memref<664xf32, #tpu.memory_space<vmem>>) target_semaphore(%run_scoped3A_121 : memref<!tpu.dma_semaphore, #tpu.memory_space<semaphore_mem>>)
      %dma_wait3A = arith.constant 0 : i32
      %dma_wait3A_127 = tpu.memref_slice %arg8[%dma_wait3A] : memref<2048xf32, #tpu.memory_space<vmem>> -> memref<664xf32, #tpu.memory_space<vmem>>
      %dma_wait3A_128 = tpu.memref_slice %arg2[%add3A_61] : memref<1920000xf32, #tpu.memory_space<hbm>> -> memref<664xf32, #tpu.memory_space<hbm>>
      %dma_wait3A_129 = arith.constant 0 : i32
      %dma_wait3A_130 = tpu.memref_slice %arg8[%dma_wait3A_129] : memref<2048xf32, #tpu.memory_space<vmem>> -> memref<664xf32, #tpu.memory_space<vmem>>
      %dma_wait3A_131 = tpu.memref_slice %arg2[%add3A_61] : memref<1920000xf32, #tpu.memory_space<hbm>> -> memref<664xf32, #tpu.memory_space<hbm>>
      tpu.wait_dma2 semaphore(%run_scoped3A_121 : memref<!tpu.dma_semaphore, #tpu.memory_space<semaphore_mem>>) src(%dma_wait3A_131 : memref<664xf32, #tpu.memory_space<hbm>>) dst(%dma_wait3A_130 : memref<664xf32, #tpu.memory_space<vmem>>)
      tpu.yield
    }) : () -> ()
    %add3A_62 = arith.constant 240000 : i32
    %add3A_63 = arith.addi %mul3A_44, %add3A_62 : i32
    %add3A_64 = arith.addi %add3A_63, %add3A_55 : i32
    "tpu.region"() ({
      %run_scoped3A_121 = tpu.sem_alloc : memref<!tpu.dma_semaphore, #tpu.memory_space<semaphore_mem>>
      %dma_start3A = arith.constant 0 : i32
      %dma_start3A_122 = tpu.memref_slice %arg9[%dma_start3A] : memref<2048xf32, #tpu.memory_space<vmem>> -> memref<664xf32, #tpu.memory_space<vmem>>
      %dma_start3A_123 = tpu.memref_slice %arg2[%add3A_64] : memref<1920000xf32, #tpu.memory_space<hbm>> -> memref<664xf32, #tpu.memory_space<hbm>>
      %dma_start3A_124 = arith.constant 0 : i32
      %dma_start3A_125 = tpu.memref_slice %arg9[%dma_start3A_124] : memref<2048xf32, #tpu.memory_space<vmem>> -> memref<664xf32, #tpu.memory_space<vmem>>
      %dma_start3A_126 = tpu.memref_slice %arg2[%add3A_64] : memref<1920000xf32, #tpu.memory_space<hbm>> -> memref<664xf32, #tpu.memory_space<hbm>>
      tpu.enqueue_dma source(%dma_start3A_126 : memref<664xf32, #tpu.memory_space<hbm>>) target(%dma_start3A_125 : memref<664xf32, #tpu.memory_space<vmem>>) target_semaphore(%run_scoped3A_121 : memref<!tpu.dma_semaphore, #tpu.memory_space<semaphore_mem>>)
      %dma_wait3A = arith.constant 0 : i32
      %dma_wait3A_127 = tpu.memref_slice %arg9[%dma_wait3A] : memref<2048xf32, #tpu.memory_space<vmem>> -> memref<664xf32, #tpu.memory_space<vmem>>
      %dma_wait3A_128 = tpu.memref_slice %arg2[%add3A_64] : memref<1920000xf32, #tpu.memory_space<hbm>> -> memref<664xf32, #tpu.memory_space<hbm>>
      %dma_wait3A_129 = arith.constant 0 : i32
      %dma_wait3A_130 = tpu.memref_slice %arg9[%dma_wait3A_129] : memref<2048xf32, #tpu.memory_space<vmem>> -> memref<664xf32, #tpu.memory_space<vmem>>
      %dma_wait3A_131 = tpu.memref_slice %arg2[%add3A_64] : memref<1920000xf32, #tpu.memory_space<hbm>> -> memref<664xf32, #tpu.memory_space<hbm>>
      tpu.wait_dma2 semaphore(%run_scoped3A_121 : memref<!tpu.dma_semaphore, #tpu.memory_space<semaphore_mem>>) src(%dma_wait3A_131 : memref<664xf32, #tpu.memory_space<hbm>>) dst(%dma_wait3A_130 : memref<664xf32, #tpu.memory_space<vmem>>)
      tpu.yield
    }) : () -> ()
    %scan3A_65 = arith.constant 0 : i32
    %scan3A_66 = arith.constant 0 : i32
    %scan3A_67 = arith.constant 42 : i32
    %scan3A_68 = arith.addi %scan3A_66, %scan3A_67 : i32
    %scan3A_69 = arith.constant 1 : i32
    %scan3A_70 = scf.for %scan3A_121 = %scan3A_66 to %scan3A_68 step %scan3A_69 iter_args(%scan3A_122 = %scan3A_65) -> (i32)  : i32 {
      %mul3A_123 = arith.constant 16 : i32
      %mul3A_124 = arith.muli %scan3A_121, %mul3A_123 : i32
      %add3A_125 = vector.broadcast %mul3A_124 : i32 to vector<16xi32>
      %add3A_126 = arith.addi %add3A_125, %iota3A : vector<16xi32>
      %mul3A_127 = arith.constant 16 : i32
      %mul3A_128 = arith.muli %scan3A_121, %mul3A_127 : i32
      %get3A = arith.index_cast %mul3A_128 : i32 to index
      %get3A_129 = tpu.vector_load %arg7[%get3A] {strides = array<i32>} : memref<2048xf32, #tpu.memory_space<vmem>>, vector<16xf32>,
      %get3A_130 = arith.index_cast %mul3A_128 : i32 to index
      %get3A_131 = tpu.vector_load %arg8[%get3A_130] {strides = array<i32>} : memref<2048xf32, #tpu.memory_space<vmem>>, vector<16xf32>,
      %get3A_132 = arith.index_cast %mul3A_128 : i32 to index
      %get3A_133 = tpu.vector_load %arg9[%get3A_132] {strides = array<i32>} : memref<2048xf32, #tpu.memory_space<vmem>>, vector<16xf32>,
      %sub3A_134 = arith.constant -5.120000e+01 : f32
      %sub3A_135 = vector.broadcast %sub3A_134 : f32 to vector<16xf32>
      %sub3A_136 = arith.subf %get3A_129, %sub3A_135 : vector<16xf32>
      %div3A_137 = arith.constant 4.000000e-01 : f32
      %div3A_138 = vector.broadcast %div3A_137 : f32 to vector<16xf32>
      %div3A_139 = arith.divf %sub3A_136, %div3A_138 : vector<16xf32>
      %sub3A_140 = arith.constant -5.120000e+01 : f32
      %sub3A_141 = vector.broadcast %sub3A_140 : f32 to vector<16xf32>
      %sub3A_142 = arith.subf %get3A_131, %sub3A_141 : vector<16xf32>
      %div3A_143 = arith.constant 4.000000e-01 : f32
      %div3A_144 = vector.broadcast %div3A_143 : f32 to vector<16xf32>
      %div3A_145 = arith.divf %sub3A_142, %div3A_144 : vector<16xf32>
      %sub3A_146 = arith.constant -5.000000e+00 : f32
      %sub3A_147 = vector.broadcast %sub3A_146 : f32 to vector<16xf32>
      %sub3A_148 = arith.subf %get3A_133, %sub3A_147 : vector<16xf32>
      %div3A_149 = arith.constant 8.000000e+00 : f32
      %div3A_150 = vector.broadcast %div3A_149 : f32 to vector<16xf32>
      %div3A_151 = arith.divf %sub3A_148, %div3A_150 : vector<16xf32>
      %gt3A = arith.constant -1.000000e+00 : f32
      %gt3A_152 = vector.broadcast %gt3A : f32 to vector<16xf32>
      %gt3A_153 = arith.cmpf ogt, %div3A_139, %gt3A_152 : vector<16xf32>
      %lt3A_154 = arith.constant 2.560000e+02 : f32
      %lt3A_155 = vector.broadcast %lt3A_154 : f32 to vector<16xf32>
      %lt3A_156 = arith.cmpf olt, %div3A_139, %lt3A_155 : vector<16xf32>
      %and3A_157 = arith.andi %gt3A_153, %lt3A_156 : vector<16xi1>
      %gt3A_158 = arith.constant -1.000000e+00 : f32
      %gt3A_159 = vector.broadcast %gt3A_158 : f32 to vector<16xf32>
      %gt3A_160 = arith.cmpf ogt, %div3A_145, %gt3A_159 : vector<16xf32>
      %and3A_161 = arith.andi %and3A_157, %gt3A_160 : vector<16xi1>
      %lt3A_162 = arith.constant 2.560000e+02 : f32
      %lt3A_163 = vector.broadcast %lt3A_162 : f32 to vector<16xf32>
      %lt3A_164 = arith.cmpf olt, %div3A_145, %lt3A_163 : vector<16xf32>
      %and3A_165 = arith.andi %and3A_161, %lt3A_164 : vector<16xi1>
      %gt3A_166 = arith.constant -1.000000e+00 : f32
      %gt3A_167 = vector.broadcast %gt3A_166 : f32 to vector<16xf32>
      %gt3A_168 = arith.cmpf ogt, %div3A_151, %gt3A_167 : vector<16xf32>
      %and3A_169 = arith.andi %and3A_165, %gt3A_168 : vector<16xi1>
      %lt3A_170 = arith.constant 1.000000e+00 : f32
      %lt3A_171 = vector.broadcast %lt3A_170 : f32 to vector<16xf32>
      %lt3A_172 = arith.cmpf olt, %div3A_151, %lt3A_171 : vector<16xf32>
      %and3A_173 = arith.andi %and3A_169, %lt3A_172 : vector<16xi1>
      %lt3A_174 = arith.constant 664 : i32
      %lt3A_175 = vector.broadcast %lt3A_174 : i32 to vector<16xi32>
      %lt3A_176 = arith.cmpi slt, %add3A_126, %lt3A_175 : vector<16xi32>
      %and3A_177 = arith.andi %and3A_173, %lt3A_176 : vector<16xi1>
      %jit3A_178 = arith.constant -1.000000e+00 : f32
      %jit3A_179 = arith.constant 2.560000e+02 : f32
      %max3A = vector.broadcast %jit3A_178 : f32 to vector<16xf32>
      %max3A_180 = arith.maximumf %max3A, %div3A_139 : vector<16xf32>
      %min3A = vector.broadcast %jit3A_179 : f32 to vector<16xf32>
      %min3A_181 = arith.minimumf %min3A, %max3A_180 : vector<16xf32>
      %convert_element_type3A = arith.fptosi %min3A_181 : vector<16xf32> to vector<16xi32>
      %jit3A_182 = arith.constant -1.000000e+00 : f32
      %jit3A_183 = arith.constant 2.560000e+02 : f32
      %max3A_184 = vector.broadcast %jit3A_182 : f32 to vector<16xf32>
      %max3A_185 = arith.maximumf %max3A_184, %div3A_145 : vector<16xf32>
      %min3A_186 = vector.broadcast %jit3A_183 : f32 to vector<16xf32>
      %min3A_187 = arith.minimumf %min3A_186, %max3A_185 : vector<16xf32>
      %convert_element_type3A_188 = arith.fptosi %min3A_187 : vector<16xf32> to vector<16xi32>
      %mul3A_189 = arith.constant 256 : i32
      %mul3A_190 = vector.broadcast %mul3A_189 : i32 to vector<16xi32>
      %mul3A_191 = arith.muli %convert_element_type3A_188, %mul3A_190 : vector<16xi32>
      %add3A_192 = arith.addi %mul3A_191, %convert_element_type3A : vector<16xi32>
      %and3A_193 = arith.constant 65535 : i32
      %and3A_194 = vector.broadcast %and3A_193 : i32 to vector<16xi32>
      %and3A_195 = arith.andi %add3A_192, %and3A_194 : vector<16xi32>
      %add3A_196 = vector.broadcast %add3A_55 : i32 to vector<16xi32>
      %add3A_197 = arith.addi %add3A_196, %add3A_126 : vector<16xi32>
      tpu.vector_store_idx %arg6[%and3A_195], %add3A_197 masked %and3A_177 : memref<65536xi32, #tpu.memory_space<vmem>>[vector<16xi32>], vector<16xi32>, vector<16xi1>
      %scan3A_198 = arith.constant 0 : i32
      scf.yield %scan3A_198 : i32
    }
    %scan3A_71 = arith.constant 42 : i32
    "tpu.trace_stop"() : () -> ()
    "tpu.trace_start"() <{level = 10 : i32, message = "sc_phaseB"}> : () -> ()
    %mul3A_72 = arith.constant 16 : i32
    %mul3A_73 = arith.muli %arg0, %mul3A_72 : i32
    %add3A_74 = arith.addi %mul3A_73, %arg1 : i32
    "tpu.region"() ({
      %run_scoped3A_121 = tpu.sem_alloc : memref<!tpu.dma_semaphore, #tpu.memory_space<semaphore_mem>>
      %dma_start3A = arith.constant 0 : i32
      %dma_start3A_122 = tpu.memref_slice %arg5[%add3A_74, %dma_start3A] : memref<32x65536xi32, #tpu.memory_space<hbm>> -> memref<1x65536xi32, #tpu.memory_space<hbm>>
      %dma_start3A_123 = tpu.memref_squeeze %dma_start3A_122 : memref<1x65536xi32, #tpu.memory_space<hbm>> -> memref<65536xi32, #tpu.memory_space<hbm>>
      %dma_start3A_124 = arith.constant 0 : i32
      %dma_start3A_125 = tpu.memref_slice %arg5[%add3A_74, %dma_start3A_124] : memref<32x65536xi32, #tpu.memory_space<hbm>> -> memref<1x65536xi32, #tpu.memory_space<hbm>>
      %dma_start3A_126 = tpu.memref_squeeze %dma_start3A_125 : memref<1x65536xi32, #tpu.memory_space<hbm>> -> memref<65536xi32, #tpu.memory_space<hbm>>
      tpu.enqueue_dma source(%arg6 : memref<65536xi32, #tpu.memory_space<vmem>>) target(%dma_start3A_126 : memref<65536xi32, #tpu.memory_space<hbm>>) target_semaphore(%run_scoped3A_121 : memref<!tpu.dma_semaphore, #tpu.memory_space<semaphore_mem>>)
      %dma_wait3A = arith.constant 0 : i32
      %dma_wait3A_127 = tpu.memref_slice %arg5[%add3A_74, %dma_wait3A] : memref<32x65536xi32, #tpu.memory_space<hbm>> -> memref<1x65536xi32, #tpu.memory_space<hbm>>
      %dma_wait3A_128 = tpu.memref_squeeze %dma_wait3A_127 : memref<1x65536xi32, #tpu.memory_space<hbm>> -> memref<65536xi32, #tpu.memory_space<hbm>>
      %dma_wait3A_129 = arith.constant 0 : i32
      %dma_wait3A_130 = tpu.memref_slice %arg5[%add3A_74, %dma_wait3A_129] : memref<32x65536xi32, #tpu.memory_space<hbm>> -> memref<1x65536xi32, #tpu.memory_space<hbm>>
      %dma_wait3A_131 = tpu.memref_squeeze %dma_wait3A_130 : memref<1x65536xi32, #tpu.memory_space<hbm>> -> memref<65536xi32, #tpu.memory_space<hbm>>
      tpu.wait_dma2 semaphore(%run_scoped3A_121 : memref<!tpu.dma_semaphore, #tpu.memory_space<semaphore_mem>>) src(%arg6 : memref<65536xi32, #tpu.memory_space<vmem>>) dst(%dma_wait3A_131 : memref<65536xi32, #tpu.memory_space<hbm>>)
      tpu.yield
    }) : () -> ()
    %barrier3A = arith.constant 0 : index
    tpu.barrier barrier_id(%barrier3A)
    %mul3A_75 = arith.constant 16 : i32
    %mul3A_76 = arith.muli %arg0, %mul3A_75 : i32
    %jit3A_77 = arith.constant 8 : i32
    %div3A_78 = arith.divsi %arg1, %jit3A_77 : i32
    %sign3A_79 = arith.constant 0 : i32
    %sign3A_80 = arith.cmpi sgt, %arg1, %sign3A_79 : i32
    %sign3A_81 = arith.extui %sign3A_80 : i1 to i32
    %sign3A_82 = arith.constant 0 : i32
    %sign3A_83 = arith.cmpi slt, %arg1, %sign3A_82 : i32
    %sign3A_84 = arith.extui %sign3A_83 : i1 to i32
    %sign3A_85 = arith.subi %sign3A_81, %sign3A_84 : i32
    %sign3A_86 = arith.constant 0 : i32
    %sign3A_87 = arith.cmpi sgt, %jit3A_77, %sign3A_86 : i32
    %sign3A_88 = arith.extui %sign3A_87 : i1 to i32
    %sign3A_89 = arith.constant 0 : i32
    %sign3A_90 = arith.cmpi slt, %jit3A_77, %sign3A_89 : i32
    %sign3A_91 = arith.extui %sign3A_90 : i1 to i32
    %sign3A_92 = arith.subi %sign3A_88, %sign3A_91 : i32
    %ne3A_93 = arith.cmpi ne, %sign3A_85, %sign3A_92 : i32
    %rem3A_94 = arith.remsi %arg1, %jit3A_77 : i32
    %ne3A_95 = arith.constant 0 : i32
    %ne3A_96 = arith.cmpi ne, %rem3A_94, %ne3A_95 : i32
    %and3A_97 = arith.andi %ne3A_93, %ne3A_96 : i1
    %sub3A_98 = arith.constant 1 : i32
    %sub3A_99 = arith.subi %div3A_78, %sub3A_98 : i32
    %select_n3A_100 = arith.select %and3A_97, %sub3A_99, %div3A_78 : i32
    %mul3A_101 = arith.constant 8 : i32
    %mul3A_102 = arith.muli %select_n3A_100, %mul3A_101 : i32
    %add3A_103 = arith.addi %mul3A_76, %mul3A_102 : i32
    %mul3A_104 = arith.constant 8192 : i32
    %mul3A_105 = arith.muli %select_n3A_30, %mul3A_104 : i32
    "tpu.region"() ({
      %run_scoped3A_121 = tpu.sem_alloc : memref<!tpu.dma_semaphore, #tpu.memory_space<semaphore_mem>>
      %dma_start3A = tpu.memref_slice %arg5[%add3A_103, %mul3A_105] : memref<32x65536xi32, #tpu.memory_space<hbm>> -> memref<1x8192xi32, #tpu.memory_space<hbm>>
      %dma_start3A_122 = tpu.memref_squeeze %dma_start3A : memref<1x8192xi32, #tpu.memory_space<hbm>> -> memref<8192xi32, #tpu.memory_space<hbm>>
      %dma_start3A_123 = tpu.memref_slice %arg5[%add3A_103, %mul3A_105] : memref<32x65536xi32, #tpu.memory_space<hbm>> -> memref<1x8192xi32, #tpu.memory_space<hbm>>
      %dma_start3A_124 = tpu.memref_squeeze %dma_start3A_123 : memref<1x8192xi32, #tpu.memory_space<hbm>> -> memref<8192xi32, #tpu.memory_space<hbm>>
      tpu.enqueue_dma source(%dma_start3A_124 : memref<8192xi32, #tpu.memory_space<hbm>>) target(%arg12 : memref<8192xi32, #tpu.memory_space<vmem>>) target_semaphore(%run_scoped3A_121 : memref<!tpu.dma_semaphore, #tpu.memory_space<semaphore_mem>>)
      %dma_wait3A = tpu.memref_slice %arg5[%add3A_103, %mul3A_105] : memref<32x65536xi32, #tpu.memory_space<hbm>> -> memref<1x8192xi32, #tpu.memory_space<hbm>>
      %dma_wait3A_125 = tpu.memref_squeeze %dma_wait3A : memref<1x8192xi32, #tpu.memory_space<hbm>> -> memref<8192xi32, #tpu.memory_space<hbm>>
      %dma_wait3A_126 = tpu.memref_slice %arg5[%add3A_103, %mul3A_105] : memref<32x65536xi32, #tpu.memory_space<hbm>> -> memref<1x8192xi32, #tpu.memory_space<hbm>>
      %dma_wait3A_127 = tpu.memref_squeeze %dma_wait3A_126 : memref<1x8192xi32, #tpu.memory_space<hbm>> -> memref<8192xi32, #tpu.memory_space<hbm>>
      tpu.wait_dma2 semaphore(%run_scoped3A_121 : memref<!tpu.dma_semaphore, #tpu.memory_space<semaphore_mem>>) src(%dma_wait3A_127 : memref<8192xi32, #tpu.memory_space<hbm>>) dst(%arg12 : memref<8192xi32, #tpu.memory_space<vmem>>)
      tpu.yield
    }) : () -> ()
    %scan3A_106 = arith.constant 0 : i32
    %scan3A_107 = arith.constant 1 : i32
    %scan3A_108 = arith.constant 7 : i32
    %scan3A_109 = arith.addi %scan3A_107, %scan3A_108 : i32
    %scan3A_110 = arith.constant 1 : i32
    %scan3A_111 = scf.for %scan3A_121 = %scan3A_107 to %scan3A_109 step %scan3A_110 iter_args(%scan3A_122 = %scan3A_106) -> (i32)  : i32 {
      %add3A_123 = arith.addi %add3A_103, %scan3A_121 : i32
      "tpu.region"() ({
        %run_scoped3A_132 = tpu.sem_alloc : memref<!tpu.dma_semaphore, #tpu.memory_space<semaphore_mem>>
        %dma_start3A = tpu.memref_slice %arg5[%add3A_123, %mul3A_105] : memref<32x65536xi32, #tpu.memory_space<hbm>> -> memref<1x8192xi32, #tpu.memory_space<hbm>>
        %dma_start3A_133 = tpu.memref_squeeze %dma_start3A : memref<1x8192xi32, #tpu.memory_space<hbm>> -> memref<8192xi32, #tpu.memory_space<hbm>>
        %dma_start3A_134 = tpu.memref_slice %arg5[%add3A_123, %mul3A_105] : memref<32x65536xi32, #tpu.memory_space<hbm>> -> memref<1x8192xi32, #tpu.memory_space<hbm>>
        %dma_start3A_135 = tpu.memref_squeeze %dma_start3A_134 : memref<1x8192xi32, #tpu.memory_space<hbm>> -> memref<8192xi32, #tpu.memory_space<hbm>>
        tpu.enqueue_dma source(%dma_start3A_135 : memref<8192xi32, #tpu.memory_space<hbm>>) target(%arg13 : memref<8192xi32, #tpu.memory_space<vmem>>) target_semaphore(%run_scoped3A_132 : memref<!tpu.dma_semaphore, #tpu.memory_space<semaphore_mem>>)
        %dma_wait3A = tpu.memref_slice %arg5[%add3A_123, %mul3A_105] : memref<32x65536xi32, #tpu.memory_space<hbm>> -> memref<1x8192xi32, #tpu.memory_space<hbm>>
        %dma_wait3A_136 = tpu.memref_squeeze %dma_wait3A : memref<1x8192xi32, #tpu.memory_space<hbm>> -> memref<8192xi32, #tpu.memory_space<hbm>>
        %dma_wait3A_137 = tpu.memref_slice %arg5[%add3A_123, %mul3A_105] : memref<32x65536xi32, #tpu.memory_space<hbm>> -> memref<1x8192xi32, #tpu.memory_space<hbm>>
        %dma_wait3A_138 = tpu.memref_squeeze %dma_wait3A_137 : memref<1x8192xi32, #tpu.memory_space<hbm>> -> memref<8192xi32, #tpu.memory_space<hbm>>
        tpu.wait_dma2 semaphore(%run_scoped3A_132 : memref<!tpu.dma_semaphore, #tpu.memory_space<semaphore_mem>>) src(%dma_wait3A_138 : memref<8192xi32, #tpu.memory_space<hbm>>) dst(%arg13 : memref<8192xi32, #tpu.memory_space<vmem>>)
        tpu.yield
      }) : () -> ()
      %scan3A_124 = arith.constant 0 : i32
      %scan3A_125 = arith.constant 0 : i32
      %scan3A_126 = arith.constant 64 : i32
      %scan3A_127 = arith.addi %scan3A_125, %scan3A_126 : i32
      %scan3A_128 = arith.constant 1 : i32
      %scan3A_129 = scf.for %scan3A_132 = %scan3A_125 to %scan3A_127 step %scan3A_128 iter_args(%scan3A_133 = %scan3A_124) -> (i32)  : i32 {
        %mul3A_134 = arith.constant 128 : i32
        %mul3A_135 = arith.muli %scan3A_132, %mul3A_134 : i32
        %add3A_136 = arith.constant 0 : i32
        %add3A_137 = arith.addi %mul3A_135, %add3A_136 : i32
        %get3A = arith.index_cast %add3A_137 : i32 to index
        %get3A_138 = tpu.vector_load %arg12[%get3A] {strides = array<i32>} : memref<8192xi32, #tpu.memory_space<vmem>>, vector<16xi32>,
        %get3A_139 = arith.index_cast %add3A_137 : i32 to index
        %get3A_140 = tpu.vector_load %arg13[%get3A_139] {strides = array<i32>} : memref<8192xi32, #tpu.memory_space<vmem>>, vector<16xi32>,
        %max3A = arith.maxsi %get3A_138, %get3A_140 : vector<16xi32>
        %swap3A = arith.index_cast %add3A_137 : i32 to index
        %swap3A_141 = tpu.vector_load %arg12[%swap3A] {strides = array<i32>} : memref<8192xi32, #tpu.memory_space<vmem>>, vector<16xi32>,
        tpu.vector_store %arg12[%swap3A], %max3A {strides = array<i32>} : memref<8192xi32, #tpu.memory_space<vmem>>, vector<16xi32>,
        %mul3A_142 = arith.constant 128 : i32
        %mul3A_143 = arith.muli %scan3A_132, %mul3A_142 : i32
        %add3A_144 = arith.constant 16 : i32
        %add3A_145 = arith.addi %mul3A_143, %add3A_144 : i32
        %get3A_146 = arith.index_cast %add3A_145 : i32 to index
        %get3A_147 = tpu.vector_load %arg12[%get3A_146] {strides = array<i32>} : memref<8192xi32, #tpu.memory_space<vmem>>, vector<16xi32>,
        %get3A_148 = arith.index_cast %add3A_145 : i32 to index
        %get3A_149 = tpu.vector_load %arg13[%get3A_148] {strides = array<i32>} : memref<8192xi32, #tpu.memory_space<vmem>>, vector<16xi32>,
        %max3A_150 = arith.maxsi %get3A_147, %get3A_149 : vector<16xi32>
        %swap3A_151 = arith.index_cast %add3A_145 : i32 to index
        %swap3A_152 = tpu.vector_load %arg12[%swap3A_151] {strides = array<i32>} : memref<8192xi32, #tpu.memory_space<vmem>>, vector<16xi32>,
        tpu.vector_store %arg12[%swap3A_151], %max3A_150 {strides = array<i32>} : memref<8192xi32, #tpu.memory_space<vmem>>, vector<16xi32>,
        %mul3A_153 = arith.constant 128 : i32
        %mul3A_154 = arith.muli %scan3A_132, %mul3A_153 : i32
        %add3A_155 = arith.constant 32 : i32
        %add3A_156 = arith.addi %mul3A_154, %add3A_155 : i32
        %get3A_157 = arith.index_cast %add3A_156 : i32 to index
        %get3A_158 = tpu.vector_load %arg12[%get3A_157] {strides = array<i32>} : memref<8192xi32, #tpu.memory_space<vmem>>, vector<16xi32>,
        %get3A_159 = arith.index_cast %add3A_156 : i32 to index
        %get3A_160 = tpu.vector_load %arg13[%get3A_159] {strides = array<i32>} : memref<8192xi32, #tpu.memory_space<vmem>>, vector<16xi32>,
        %max3A_161 = arith.maxsi %get3A_158, %get3A_160 : vector<16xi32>
        %swap3A_162 = arith.index_cast %add3A_156 : i32 to index
        %swap3A_163 = tpu.vector_load %arg12[%swap3A_162] {strides = array<i32>} : memref<8192xi32, #tpu.memory_space<vmem>>, vector<16xi32>,
        tpu.vector_store %arg12[%swap3A_162], %max3A_161 {strides = array<i32>} : memref<8192xi32, #tpu.memory_space<vmem>>, vector<16xi32>,
        %mul3A_164 = arith.constant 128 : i32
        %mul3A_165 = arith.muli %scan3A_132, %mul3A_164 : i32
        %add3A_166 = arith.constant 48 : i32
        %add3A_167 = arith.addi %mul3A_165, %add3A_166 : i32
        %get3A_168 = arith.index_cast %add3A_167 : i32 to index
        %get3A_169 = tpu.vector_load %arg12[%get3A_168] {strides = array<i32>} : memref<8192xi32, #tpu.memory_space<vmem>>, vector<16xi32>,
        %get3A_170 = arith.index_cast %add3A_167 : i32 to index
        %get3A_171 = tpu.vector_load %arg13[%get3A_170] {strides = array<i32>} : memref<8192xi32, #tpu.memory_space<vmem>>, vector<16xi32>,
        %max3A_172 = arith.maxsi %get3A_169, %get3A_171 : vector<16xi32>
        %swap3A_173 = arith.index_cast %add3A_167 : i32 to index
        %swap3A_174 = tpu.vector_load %arg12[%swap3A_173] {strides = array<i32>} : memref<8192xi32, #tpu.memory_space<vmem>>, vector<16xi32>,
        tpu.vector_store %arg12[%swap3A_173], %max3A_172 {strides = array<i32>} : memref<8192xi32, #tpu.memory_space<vmem>>, vector<16xi32>,
        %mul3A_175 = arith.constant 128 : i32
        %mul3A_176 = arith.muli %scan3A_132, %mul3A_175 : i32
        %add3A_177 = arith.constant 64 : i32
        %add3A_178 = arith.addi %mul3A_176, %add3A_177 : i32
        %get3A_179 = arith.index_cast %add3A_178 : i32 to index
        %get3A_180 = tpu.vector_load %arg12[%get3A_179] {strides = array<i32>} : memref<8192xi32, #tpu.memory_space<vmem>>, vector<16xi32>,
        %get3A_181 = arith.index_cast %add3A_178 : i32 to index
        %get3A_182 = tpu.vector_load %arg13[%get3A_181] {strides = array<i32>} : memref<8192xi32, #tpu.memory_space<vmem>>, vector<16xi32>,
        %max3A_183 = arith.maxsi %get3A_180, %get3A_182 : vector<16xi32>
        %swap3A_184 = arith.index_cast %add3A_178 : i32 to index
        %swap3A_185 = tpu.vector_load %arg12[%swap3A_184] {strides = array<i32>} : memref<8192xi32, #tpu.memory_space<vmem>>, vector<16xi32>,
        tpu.vector_store %arg12[%swap3A_184], %max3A_183 {strides = array<i32>} : memref<8192xi32, #tpu.memory_space<vmem>>, vector<16xi32>,
        %mul3A_186 = arith.constant 128 : i32
        %mul3A_187 = arith.muli %scan3A_132, %mul3A_186 : i32
        %add3A_188 = arith.constant 80 : i32
        %add3A_189 = arith.addi %mul3A_187, %add3A_188 : i32
        %get3A_190 = arith.index_cast %add3A_189 : i32 to index
        %get3A_191 = tpu.vector_load %arg12[%get3A_190] {strides = array<i32>} : memref<8192xi32, #tpu.memory_space<vmem>>, vector<16xi32>,
        %get3A_192 = arith.index_cast %add3A_189 : i32 to index
        %get3A_193 = tpu.vector_load %arg13[%get3A_192] {strides = array<i32>} : memref<8192xi32, #tpu.memory_space<vmem>>, vector<16xi32>,
        %max3A_194 = arith.maxsi %get3A_191, %get3A_193 : vector<16xi32>
        %swap3A_195 = arith.index_cast %add3A_189 : i32 to index
        %swap3A_196 = tpu.vector_load %arg12[%swap3A_195] {strides = array<i32>} : memref<8192xi32, #tpu.memory_space<vmem>>, vector<16xi32>,
        tpu.vector_store %arg12[%swap3A_195], %max3A_194 {strides = array<i32>} : memref<8192xi32, #tpu.memory_space<vmem>>, vector<16xi32>,
        %mul3A_197 = arith.constant 128 : i32
        %mul3A_198 = arith.muli %scan3A_132, %mul3A_197 : i32
        %add3A_199 = arith.constant 96 : i32
        %add3A_200 = arith.addi %mul3A_198, %add3A_199 : i32
        %get3A_201 = arith.index_cast %add3A_200 : i32 to index
        %get3A_202 = tpu.vector_load %arg12[%get3A_201] {strides = array<i32>} : memref<8192xi32, #tpu.memory_space<vmem>>, vector<16xi32>,
        %get3A_203 = arith.index_cast %add3A_200 : i32 to index
        %get3A_204 = tpu.vector_load %arg13[%get3A_203] {strides = array<i32>} : memref<8192xi32, #tpu.memory_space<vmem>>, vector<16xi32>,
        %max3A_205 = arith.maxsi %get3A_202, %get3A_204 : vector<16xi32>
        %swap3A_206 = arith.index_cast %add3A_200 : i32 to index
        %swap3A_207 = tpu.vector_load %arg12[%swap3A_206] {strides = array<i32>} : memref<8192xi32, #tpu.memory_space<vmem>>, vector<16xi32>,
        tpu.vector_store %arg12[%swap3A_206], %max3A_205 {strides = array<i32>} : memref<8192xi32, #tpu.memory_space<vmem>>, vector<16xi32>,
        %mul3A_208 = arith.constant 128 : i32
        %mul3A_209 = arith.muli %scan3A_132, %mul3A_208 : i32
        %add3A_210 = arith.constant 112 : i32
        %add3A_211 = arith.addi %mul3A_209, %add3A_210 : i32
        %get3A_212 = arith.index_cast %add3A_211 : i32 to index
        %get3A_213 = tpu.vector_load %arg12[%get3A_212] {strides = array<i32>} : memref<8192xi32, #tpu.memory_space<vmem>>, vector<16xi32>,
        %get3A_214 = arith.index_cast %add3A_211 : i32 to index
        %get3A_215 = tpu.vector_load %arg13[%get3A_214] {strides = array<i32>} : memref<8192xi32, #tpu.memory_space<vmem>>, vector<16xi32>,
        %max3A_216 = arith.maxsi %get3A_213, %get3A_215 : vector<16xi32>
        %swap3A_217 = arith.index_cast %add3A_211 : i32 to index
        %swap3A_218 = tpu.vector_load %arg12[%swap3A_217] {strides = array<i32>} : memref<8192xi32, #tpu.memory_space<vmem>>, vector<16xi32>,
        tpu.vector_store %arg12[%swap3A_217], %max3A_216 {strides = array<i32>} : memref<8192xi32, #tpu.memory_space<vmem>>, vector<16xi32>,
        %scan3A_219 = arith.constant 0 : i32
        scf.yield %scan3A_219 : i32
      }
      %scan3A_130 = arith.constant 64 : i32
      %scan3A_131 = arith.constant 0 : i32
      scf.yield %scan3A_131 : i32
    }
    %scan3A_112 = arith.constant 7 : i32
    %run_scoped3A = arith.constant 0 : i32
    "tpu.region"() ({
      %run_scoped3A_121 = tpu.sem_alloc : memref<!tpu.dma_semaphore, #tpu.memory_space<semaphore_mem>>
      %dma_start3A = tpu.memref_slice %arg4[%add3A, %run_scoped3A, %mul3A_105] : memref<4x1x65536xi32, #tpu.memory_space<hbm>> -> memref<1x1x8192xi32, #tpu.memory_space<hbm>>
      %dma_start3A_122 = tpu.memref_squeeze %dma_start3A : memref<1x1x8192xi32, #tpu.memory_space<hbm>> -> memref<8192xi32, #tpu.memory_space<hbm>>
      %dma_start3A_123 = tpu.memref_slice %arg4[%add3A, %run_scoped3A, %mul3A_105] : memref<4x1x65536xi32, #tpu.memory_space<hbm>> -> memref<1x1x8192xi32, #tpu.memory_space<hbm>>
      %dma_start3A_124 = tpu.memref_squeeze %dma_start3A_123 : memref<1x1x8192xi32, #tpu.memory_space<hbm>> -> memref<8192xi32, #tpu.memory_space<hbm>>
      tpu.enqueue_dma source(%arg12 : memref<8192xi32, #tpu.memory_space<vmem>>) target(%dma_start3A_124 : memref<8192xi32, #tpu.memory_space<hbm>>) target_semaphore(%run_scoped3A_121 : memref<!tpu.dma_semaphore, #tpu.memory_space<semaphore_mem>>)
      %dma_wait3A = tpu.memref_slice %arg4[%add3A, %run_scoped3A, %mul3A_105] : memref<4x1x65536xi32, #tpu.memory_space<hbm>> -> memref<1x1x8192xi32, #tpu.memory_space<hbm>>
      %dma_wait3A_125 = tpu.memref_squeeze %dma_wait3A : memref<1x1x8192xi32, #tpu.memory_space<hbm>> -> memref<8192xi32, #tpu.memory_space<hbm>>
      %dma_wait3A_126 = tpu.memref_slice %arg4[%add3A, %run_scoped3A, %mul3A_105] : memref<4x1x65536xi32, #tpu.memory_space<hbm>> -> memref<1x1x8192xi32, #tpu.memory_space<hbm>>
      %dma_wait3A_127 = tpu.memref_squeeze %dma_wait3A_126 : memref<1x1x8192xi32, #tpu.memory_space<hbm>> -> memref<8192xi32, #tpu.memory_space<hbm>>
      tpu.wait_dma2 semaphore(%run_scoped3A_121 : memref<!tpu.dma_semaphore, #tpu.memory_space<semaphore_mem>>) src(%arg12 : memref<8192xi32, #tpu.memory_space<vmem>>) dst(%dma_wait3A_127 : memref<8192xi32, #tpu.memory_space<hbm>>)
      tpu.yield
    }) : () -> ()
    "tpu.trace_stop"() : () -> ()
    "tpu.trace_start"() <{level = 10 : i32, message = "sc_phaseC"}> : () -> ()
    %iota3A_113 = tpu.iota {dimensions = array<i32: 0>} : vector<16xi32>
    %scan3A_114 = arith.constant 0 : i32
    %scan3A_115 = arith.constant 0 : i32
    %scan3A_116 = arith.constant 4 : i32
    %scan3A_117 = arith.addi %scan3A_115, %scan3A_116 : i32
    %scan3A_118 = arith.constant 1 : i32
    %scan3A_119 = scf.for %scan3A_121 = %scan3A_115 to %scan3A_117 step %scan3A_118 iter_args(%scan3A_122 = %scan3A_114) -> (i32)  : i32 {
      %mul3A_123 = arith.constant 2048 : i32
      %mul3A_124 = arith.muli %scan3A_121, %mul3A_123 : i32
      %add3A_125 = arith.addi %mul3A_105, %mul3A_124 : i32
      %scan3A_126 = arith.constant 0 : i32
      %scan3A_127 = arith.constant 0 : i32
      %scan3A_128 = arith.constant 4 : i32
      %scan3A_129 = arith.addi %scan3A_127, %scan3A_128 : i32
      %scan3A_130 = arith.constant 1 : i32
      %scan3A_131 = scf.for %scan3A_141 = %scan3A_127 to %scan3A_129 step %scan3A_130 iter_args(%scan3A_142 = %scan3A_126) -> (i32)  : i32 {
        %mul3A_143 = arith.constant 480000 : i32
        %mul3A_144 = arith.muli %add3A, %mul3A_143 : i32
        %mul3A_145 = arith.constant 120000 : i32
        %mul3A_146 = arith.muli %scan3A_141, %mul3A_145 : i32
        %add3A_147 = arith.addi %mul3A_144, %mul3A_146 : i32
        %scan3A_148 = arith.constant 0 : i32
        %scan3A_149 = arith.constant 0 : i32
        %scan3A_150 = arith.constant 128 : i32
        %scan3A_151 = arith.addi %scan3A_149, %scan3A_150 : i32
        %scan3A_152 = arith.constant 1 : i32
        %scan3A_153 = scf.for %scan3A_347 = %scan3A_149 to %scan3A_151 step %scan3A_152 iter_args(%scan3A_348 = %scan3A_148) -> (i32)  : i32 {
          %mul3A_349 = arith.constant 2048 : i32
          %mul3A_350 = arith.muli %scan3A_121, %mul3A_349 : i32
          %mul3A_351 = arith.constant 16 : i32
          %mul3A_352 = arith.muli %scan3A_347, %mul3A_351 : i32
          %add3A_353 = arith.addi %mul3A_350, %mul3A_352 : i32
          %get3A = arith.index_cast %add3A_353 : i32 to index
          %get3A_354 = tpu.vector_load %arg12[%get3A] {strides = array<i32>} : memref<8192xi32, #tpu.memory_space<vmem>>, vector<16xi32>,
          %mul3A_355 = arith.constant 16 : i32
          %mul3A_356 = arith.muli %scan3A_347, %mul3A_355 : i32
          %add3A_357 = arith.addi %add3A_125, %mul3A_356 : i32
          %add3A_358 = vector.broadcast %add3A_357 : i32 to vector<16xi32>
          %add3A_359 = arith.addi %add3A_358, %iota3A_113 : vector<16xi32>
          %ge3A = arith.constant 0 : i32
          %ge3A_360 = vector.broadcast %ge3A : i32 to vector<16xi32>
          %ge3A_361 = arith.cmpi sge, %get3A_354, %ge3A_360 : vector<16xi32>
          %select_n3A_362 = arith.select %ge3A_361, %get3A_354, %add3A_359 : vector<16xi1>, vector<16xi32>
          %add3A_363 = vector.broadcast %add3A_147 : i32 to vector<16xi32>
          %add3A_364 = arith.addi %add3A_363, %select_n3A_362 : vector<16xi32>
          %mul3A_365 = arith.constant 16 : i32
          %mul3A_366 = arith.muli %scan3A_141, %mul3A_365 : i32
          %jit3A_367 = arith.constant 8 : i32
          %div3A_368 = arith.divsi %scan3A_347, %jit3A_367 : i32
          %sign3A_369 = arith.constant 0 : i32
          %sign3A_370 = arith.cmpi sgt, %scan3A_347, %sign3A_369 : i32
          %sign3A_371 = arith.extui %sign3A_370 : i1 to i32
          %sign3A_372 = arith.constant 0 : i32
          %sign3A_373 = arith.cmpi slt, %scan3A_347, %sign3A_372 : i32
          %sign3A_374 = arith.extui %sign3A_373 : i1 to i32
          %sign3A_375 = arith.subi %sign3A_371, %sign3A_374 : i32
          %sign3A_376 = arith.constant 0 : i32
          %sign3A_377 = arith.cmpi sgt, %jit3A_367, %sign3A_376 : i32
          %sign3A_378 = arith.extui %sign3A_377 : i1 to i32
          %sign3A_379 = arith.constant 0 : i32
          %sign3A_380 = arith.cmpi slt, %jit3A_367, %sign3A_379 : i32
          %sign3A_381 = arith.extui %sign3A_380 : i1 to i32
          %sign3A_382 = arith.subi %sign3A_378, %sign3A_381 : i32
          %ne3A_383 = arith.cmpi ne, %sign3A_375, %sign3A_382 : i32
          %rem3A_384 = arith.remsi %scan3A_347, %jit3A_367 : i32
          %ne3A_385 = arith.constant 0 : i32
          %ne3A_386 = arith.cmpi ne, %rem3A_384, %ne3A_385 : i32
          %and3A_387 = arith.andi %ne3A_383, %ne3A_386 : i1
          %sub3A_388 = arith.constant 1 : i32
          %sub3A_389 = arith.subi %div3A_368, %sub3A_388 : i32
          %select_n3A_390 = arith.select %and3A_387, %sub3A_389, %div3A_368 : i32
          %add3A_391 = arith.addi %mul3A_366, %select_n3A_390 : i32
          %jit3A_392 = arith.constant 8 : i32
          %eq3A_393 = arith.constant 0 : i32
          %eq3A_394 = arith.cmpi eq, %jit3A_392, %eq3A_393 : i32
          %jit3A_395 = arith.constant 1 : i32
          %select_n3A_396 = arith.select %eq3A_394, %jit3A_395, %jit3A_392 : i32
          %rem3A_397 = arith.remsi %scan3A_347, %select_n3A_396 : i32
          %ne3A_398 = arith.constant 0 : i32
          %ne3A_399 = arith.cmpi ne, %rem3A_397, %ne3A_398 : i32
          %lt3A_400 = arith.constant 0 : i32
          %lt3A_401 = arith.cmpi slt, %rem3A_397, %lt3A_400 : i32
          %lt3A_402 = arith.constant 0 : i32
          %lt3A_403 = arith.cmpi slt, %select_n3A_396, %lt3A_402 : i32
          %ne3A_404 = arith.xori %lt3A_401, %lt3A_403 : i1
          %and3A_405 = arith.andi %ne3A_404, %ne3A_399 : i1
          %add3A_406 = arith.addi %rem3A_397, %select_n3A_396 : i32
          %select_n3A_407 = arith.select %and3A_405, %add3A_406, %rem3A_397 : i32
          %mul3A_408 = arith.constant 16 : i32
          %mul3A_409 = arith.muli %select_n3A_407, %mul3A_408 : i32
          %swap3A = arith.index_cast %add3A_391 : i32 to index
          %swap3A_410 = arith.index_cast %mul3A_409 : i32 to index
          %swap3A_411 = tpu.vector_load %arg10[%swap3A, %swap3A_410] {strides = array<i32>} : memref<64x128xi32, #tpu.memory_space<vmem>>, vector<16xi32>,
          tpu.vector_store %arg10[%swap3A, %swap3A_410], %add3A_364 {strides = array<i32>} : memref<64x128xi32, #tpu.memory_space<vmem>>, vector<16xi32>,
          %scan3A_412 = arith.constant 0 : i32
          scf.yield %scan3A_412 : i32
        }
        %scan3A_154 = arith.constant 128 : i32
        %mul3A_155 = arith.constant 16 : i32
        %mul3A_156 = arith.muli %scan3A_141, %mul3A_155 : i32
        %add3A_157 = arith.constant 0 : i32
        %add3A_158 = arith.addi %mul3A_156, %add3A_157 : i32
        %dma_start3A = arith.constant 0 : i32
        %dma_start3A_159 = tpu.memref_slice %arg11[%scan3A_141, %dma_start3A] : memref<4x2048xf32, #tpu.memory_space<vmem>> -> memref<1x128xf32, #tpu.memory_space<vmem>>
        %dma_start3A_160 = tpu.memref_squeeze %dma_start3A_159 : memref<1x128xf32, #tpu.memory_space<vmem>> -> memref<128xf32, #tpu.memory_space<vmem>>
        %dma_start3A_161 = arith.constant 0 : i32
        %dma_start3A_162 = tpu.memref_slice %arg10[%add3A_158, %dma_start3A_161] : memref<64x128xi32, #tpu.memory_space<vmem>> -> memref<1x128xi32, #tpu.memory_space<vmem>>
        %dma_start3A_163 = tpu.memref_squeeze %dma_start3A_162 : memref<1x128xi32, #tpu.memory_space<vmem>> -> memref<128xi32, #tpu.memory_space<vmem>>
        %dma_start3A_164 = arith.constant 0 : i32
        %dma_start3A_165 = tpu.memref_slice %arg2[%dma_start3A_164] : memref<1920000xf32, #tpu.memory_space<hbm>> -> memref<1920000xf32, #tpu.memory_space<hbm>>
        tpu.enqueue_indirect_dma source(%dma_start3A_165 : memref<1920000xf32, #tpu.memory_space<hbm>>) target(%dma_start3A_160 : memref<128xf32, #tpu.memory_space<vmem>>) offsets(%dma_start3A_163 : memref<128xi32, #tpu.memory_space<vmem>>) semaphore(%arg14 : memref<!tpu.dma_semaphore, #tpu.memory_space<semaphore_mem>>)
        %mul3A_166 = arith.constant 16 : i32
        %mul3A_167 = arith.muli %scan3A_141, %mul3A_166 : i32
        %add3A_168 = arith.constant 1 : i32
        %add3A_169 = arith.addi %mul3A_167, %add3A_168 : i32
        %dma_start3A_170 = arith.constant 128 : i32
        %dma_start3A_171 = tpu.memref_slice %arg11[%scan3A_141, %dma_start3A_170] : memref<4x2048xf32, #tpu.memory_space<vmem>> -> memref<1x128xf32, #tpu.memory_space<vmem>>
        %dma_start3A_172 = tpu.memref_squeeze %dma_start3A_171 : memref<1x128xf32, #tpu.memory_space<vmem>> -> memref<128xf32, #tpu.memory_space<vmem>>
        %dma_start3A_173 = arith.constant 0 : i32
        %dma_start3A_174 = tpu.memref_slice %arg10[%add3A_169, %dma_start3A_173] : memref<64x128xi32, #tpu.memory_space<vmem>> -> memref<1x128xi32, #tpu.memory_space<vmem>>
        %dma_start3A_175 = tpu.memref_squeeze %dma_start3A_174 : memref<1x128xi32, #tpu.memory_space<vmem>> -> memref<128xi32, #tpu.memory_space<vmem>>
        %dma_start3A_176 = arith.constant 0 : i32
        %dma_start3A_177 = tpu.memref_slice %arg2[%dma_start3A_176] : memref<1920000xf32, #tpu.memory_space<hbm>> -> memref<1920000xf32, #tpu.memory_space<hbm>>
        tpu.enqueue_indirect_dma source(%dma_start3A_177 : memref<1920000xf32, #tpu.memory_space<hbm>>) target(%dma_start3A_172 : memref<128xf32, #tpu.memory_space<vmem>>) offsets(%dma_start3A_175 : memref<128xi32, #tpu.memory_space<vmem>>) semaphore(%arg14 : memref<!tpu.dma_semaphore, #tpu.memory_space<semaphore_mem>>)
        %mul3A_178 = arith.constant 16 : i32
        %mul3A_179 = arith.muli %scan3A_141, %mul3A_178 : i32
        %add3A_180 = arith.constant 2 : i32
        %add3A_181 = arith.addi %mul3A_179, %add3A_180 : i32
        %dma_start3A_182 = arith.constant 256 : i32
        %dma_start3A_183 = tpu.memref_slice %arg11[%scan3A_141, %dma_start3A_182] : memref<4x2048xf32, #tpu.memory_space<vmem>> -> memref<1x128xf32, #tpu.memory_space<vmem>>
        %dma_start3A_184 = tpu.memref_squeeze %dma_start3A_183 : memref<1x128xf32, #tpu.memory_space<vmem>> -> memref<128xf32, #tpu.memory_space<vmem>>
        %dma_start3A_185 = arith.constant 0 : i32
        %dma_start3A_186 = tpu.memref_slice %arg10[%add3A_181, %dma_start3A_185] : memref<64x128xi32, #tpu.memory_space<vmem>> -> memref<1x128xi32, #tpu.memory_space<vmem>>
        %dma_start3A_187 = tpu.memref_squeeze %dma_start3A_186 : memref<1x128xi32, #tpu.memory_space<vmem>> -> memref<128xi32, #tpu.memory_space<vmem>>
        %dma_start3A_188 = arith.constant 0 : i32
        %dma_start3A_189 = tpu.memref_slice %arg2[%dma_start3A_188] : memref<1920000xf32, #tpu.memory_space<hbm>> -> memref<1920000xf32, #tpu.memory_space<hbm>>
        tpu.enqueue_indirect_dma source(%dma_start3A_189 : memref<1920000xf32, #tpu.memory_space<hbm>>) target(%dma_start3A_184 : memref<128xf32, #tpu.memory_space<vmem>>) offsets(%dma_start3A_187 : memref<128xi32, #tpu.memory_space<vmem>>) semaphore(%arg14 : memref<!tpu.dma_semaphore, #tpu.memory_space<semaphore_mem>>)
        %mul3A_190 = arith.constant 16 : i32
        %mul3A_191 = arith.muli %scan3A_141, %mul3A_190 : i32
        %add3A_192 = arith.constant 3 : i32
        %add3A_193 = arith.addi %mul3A_191, %add3A_192 : i32
        %dma_start3A_194 = arith.constant 384 : i32
        %dma_start3A_195 = tpu.memref_slice %arg11[%scan3A_141, %dma_start3A_194] : memref<4x2048xf32, #tpu.memory_space<vmem>> -> memref<1x128xf32, #tpu.memory_space<vmem>>
        %dma_start3A_196 = tpu.memref_squeeze %dma_start3A_195 : memref<1x128xf32, #tpu.memory_space<vmem>> -> memref<128xf32, #tpu.memory_space<vmem>>
        %dma_start3A_197 = arith.constant 0 : i32
        %dma_start3A_198 = tpu.memref_slice %arg10[%add3A_193, %dma_start3A_197] : memref<64x128xi32, #tpu.memory_space<vmem>> -> memref<1x128xi32, #tpu.memory_space<vmem>>
        %dma_start3A_199 = tpu.memref_squeeze %dma_start3A_198 : memref<1x128xi32, #tpu.memory_space<vmem>> -> memref<128xi32, #tpu.memory_space<vmem>>
        %dma_start3A_200 = arith.constant 0 : i32
        %dma_start3A_201 = tpu.memref_slice %arg2[%dma_start3A_200] : memref<1920000xf32, #tpu.memory_space<hbm>> -> memref<1920000xf32, #tpu.memory_space<hbm>>
        tpu.enqueue_indirect_dma source(%dma_start3A_201 : memref<1920000xf32, #tpu.memory_space<hbm>>) target(%dma_start3A_196 : memref<128xf32, #tpu.memory_space<vmem>>) offsets(%dma_start3A_199 : memref<128xi32, #tpu.memory_space<vmem>>) semaphore(%arg14 : memref<!tpu.dma_semaphore, #tpu.memory_space<semaphore_mem>>)
        %mul3A_202 = arith.constant 16 : i32
        %mul3A_203 = arith.muli %scan3A_141, %mul3A_202 : i32
        %add3A_204 = arith.constant 4 : i32
        %add3A_205 = arith.addi %mul3A_203, %add3A_204 : i32
        %dma_start3A_206 = arith.constant 512 : i32
        %dma_start3A_207 = tpu.memref_slice %arg11[%scan3A_141, %dma_start3A_206] : memref<4x2048xf32, #tpu.memory_space<vmem>> -> memref<1x128xf32, #tpu.memory_space<vmem>>
        %dma_start3A_208 = tpu.memref_squeeze %dma_start3A_207 : memref<1x128xf32, #tpu.memory_space<vmem>> -> memref<128xf32, #tpu.memory_space<vmem>>
        %dma_start3A_209 = arith.constant 0 : i32
        %dma_start3A_210 = tpu.memref_slice %arg10[%add3A_205, %dma_start3A_209] : memref<64x128xi32, #tpu.memory_space<vmem>> -> memref<1x128xi32, #tpu.memory_space<vmem>>
        %dma_start3A_211 = tpu.memref_squeeze %dma_start3A_210 : memref<1x128xi32, #tpu.memory_space<vmem>> -> memref<128xi32, #tpu.memory_space<vmem>>
        %dma_start3A_212 = arith.constant 0 : i32
        %dma_start3A_213 = tpu.memref_slice %arg2[%dma_start3A_212] : memref<1920000xf32, #tpu.memory_space<hbm>> -> memref<1920000xf32, #tpu.memory_space<hbm>>
        tpu.enqueue_indirect_dma source(%dma_start3A_213 : memref<1920000xf32, #tpu.memory_space<hbm>>) target(%dma_start3A_208 : memref<128xf32, #tpu.memory_space<vmem>>) offsets(%dma_start3A_211 : memref<128xi32, #tpu.memory_space<vmem>>) semaphore(%arg14 : memref<!tpu.dma_semaphore, #tpu.memory_space<semaphore_mem>>)
        %mul3A_214 = arith.constant 16 : i32
        %mul3A_215 = arith.muli %scan3A_141, %mul3A_214 : i32
        %add3A_216 = arith.constant 5 : i32
        %add3A_217 = arith.addi %mul3A_215, %add3A_216 : i32
        %dma_start3A_218 = arith.constant 640 : i32
        %dma_start3A_219 = tpu.memref_slice %arg11[%scan3A_141, %dma_start3A_218] : memref<4x2048xf32, #tpu.memory_space<vmem>> -> memref<1x128xf32, #tpu.memory_space<vmem>>
        %dma_start3A_220 = tpu.memref_squeeze %dma_start3A_219 : memref<1x128xf32, #tpu.memory_space<vmem>> -> memref<128xf32, #tpu.memory_space<vmem>>
        %dma_start3A_221 = arith.constant 0 : i32
        %dma_start3A_222 = tpu.memref_slice %arg10[%add3A_217, %dma_start3A_221] : memref<64x128xi32, #tpu.memory_space<vmem>> -> memref<1x128xi32, #tpu.memory_space<vmem>>
        %dma_start3A_223 = tpu.memref_squeeze %dma_start3A_222 : memref<1x128xi32, #tpu.memory_space<vmem>> -> memref<128xi32, #tpu.memory_space<vmem>>
        %dma_start3A_224 = arith.constant 0 : i32
        %dma_start3A_225 = tpu.memref_slice %arg2[%dma_start3A_224] : memref<1920000xf32, #tpu.memory_space<hbm>> -> memref<1920000xf32, #tpu.memory_space<hbm>>
        tpu.enqueue_indirect_dma source(%dma_start3A_225 : memref<1920000xf32, #tpu.memory_space<hbm>>) target(%dma_start3A_220 : memref<128xf32, #tpu.memory_space<vmem>>) offsets(%dma_start3A_223 : memref<128xi32, #tpu.memory_space<vmem>>) semaphore(%arg14 : memref<!tpu.dma_semaphore, #tpu.memory_space<semaphore_mem>>)
        %mul3A_226 = arith.constant 16 : i32
        %mul3A_227 = arith.muli %scan3A_141, %mul3A_226 : i32
        %add3A_228 = arith.constant 6 : i32
        %add3A_229 = arith.addi %mul3A_227, %add3A_228 : i32
        %dma_start3A_230 = arith.constant 768 : i32
        %dma_start3A_231 = tpu.memref_slice %arg11[%scan3A_141, %dma_start3A_230] : memref<4x2048xf32, #tpu.memory_space<vmem>> -> memref<1x128xf32, #tpu.memory_space<vmem>>
        %dma_start3A_232 = tpu.memref_squeeze %dma_start3A_231 : memref<1x128xf32, #tpu.memory_space<vmem>> -> memref<128xf32, #tpu.memory_space<vmem>>
        %dma_start3A_233 = arith.constant 0 : i32
        %dma_start3A_234 = tpu.memref_slice %arg10[%add3A_229, %dma_start3A_233] : memref<64x128xi32, #tpu.memory_space<vmem>> -> memref<1x128xi32, #tpu.memory_space<vmem>>
        %dma_start3A_235 = tpu.memref_squeeze %dma_start3A_234 : memref<1x128xi32, #tpu.memory_space<vmem>> -> memref<128xi32, #tpu.memory_space<vmem>>
        %dma_start3A_236 = arith.constant 0 : i32
        %dma_start3A_237 = tpu.memref_slice %arg2[%dma_start3A_236] : memref<1920000xf32, #tpu.memory_space<hbm>> -> memref<1920000xf32, #tpu.memory_space<hbm>>
        tpu.enqueue_indirect_dma source(%dma_start3A_237 : memref<1920000xf32, #tpu.memory_space<hbm>>) target(%dma_start3A_232 : memref<128xf32, #tpu.memory_space<vmem>>) offsets(%dma_start3A_235 : memref<128xi32, #tpu.memory_space<vmem>>) semaphore(%arg14 : memref<!tpu.dma_semaphore, #tpu.memory_space<semaphore_mem>>)
        %mul3A_238 = arith.constant 16 : i32
        %mul3A_239 = arith.muli %scan3A_141, %mul3A_238 : i32
        %add3A_240 = arith.constant 7 : i32
        %add3A_241 = arith.addi %mul3A_239, %add3A_240 : i32
        %dma_start3A_242 = arith.constant 896 : i32
        %dma_start3A_243 = tpu.memref_slice %arg11[%scan3A_141, %dma_start3A_242] : memref<4x2048xf32, #tpu.memory_space<vmem>> -> memref<1x128xf32, #tpu.memory_space<vmem>>
        %dma_start3A_244 = tpu.memref_squeeze %dma_start3A_243 : memref<1x128xf32, #tpu.memory_space<vmem>> -> memref<128xf32, #tpu.memory_space<vmem>>
        %dma_start3A_245 = arith.constant 0 : i32
        %dma_start3A_246 = tpu.memref_slice %arg10[%add3A_241, %dma_start3A_245] : memref<64x128xi32, #tpu.memory_space<vmem>> -> memref<1x128xi32, #tpu.memory_space<vmem>>
        %dma_start3A_247 = tpu.memref_squeeze %dma_start3A_246 : memref<1x128xi32, #tpu.memory_space<vmem>> -> memref<128xi32, #tpu.memory_space<vmem>>
        %dma_start3A_248 = arith.constant 0 : i32
        %dma_start3A_249 = tpu.memref_slice %arg2[%dma_start3A_248] : memref<1920000xf32, #tpu.memory_space<hbm>> -> memref<1920000xf32, #tpu.memory_space<hbm>>
        tpu.enqueue_indirect_dma source(%dma_start3A_249 : memref<1920000xf32, #tpu.memory_space<hbm>>) target(%dma_start3A_244 : memref<128xf32, #tpu.memory_space<vmem>>) offsets(%dma_start3A_247 : memref<128xi32, #tpu.memory_space<vmem>>) semaphore(%arg14 : memref<!tpu.dma_semaphore, #tpu.memory_space<semaphore_mem>>)
        %mul3A_250 = arith.constant 16 : i32
        %mul3A_251 = arith.muli %scan3A_141, %mul3A_250 : i32
        %add3A_252 = arith.constant 8 : i32
        %add3A_253 = arith.addi %mul3A_251, %add3A_252 : i32
        %dma_start3A_254 = arith.constant 1024 : i32
        %dma_start3A_255 = tpu.memref_slice %arg11[%scan3A_141, %dma_start3A_254] : memref<4x2048xf32, #tpu.memory_space<vmem>> -> memref<1x128xf32, #tpu.memory_space<vmem>>
        %dma_start3A_256 = tpu.memref_squeeze %dma_start3A_255 : memref<1x128xf32, #tpu.memory_space<vmem>> -> memref<128xf32, #tpu.memory_space<vmem>>
        %dma_start3A_257 = arith.constant 0 : i32
        %dma_start3A_258 = tpu.memref_slice %arg10[%add3A_253, %dma_start3A_257] : memref<64x128xi32, #tpu.memory_space<vmem>> -> memref<1x128xi32, #tpu.memory_space<vmem>>
        %dma_start3A_259 = tpu.memref_squeeze %dma_start3A_258 : memref<1x128xi32, #tpu.memory_space<vmem>> -> memref<128xi32, #tpu.memory_space<vmem>>
        %dma_start3A_260 = arith.constant 0 : i32
        %dma_start3A_261 = tpu.memref_slice %arg2[%dma_start3A_260] : memref<1920000xf32, #tpu.memory_space<hbm>> -> memref<1920000xf32, #tpu.memory_space<hbm>>
        tpu.enqueue_indirect_dma source(%dma_start3A_261 : memref<1920000xf32, #tpu.memory_space<hbm>>) target(%dma_start3A_256 : memref<128xf32, #tpu.memory_space<vmem>>) offsets(%dma_start3A_259 : memref<128xi32, #tpu.memory_space<vmem>>) semaphore(%arg14 : memref<!tpu.dma_semaphore, #tpu.memory_space<semaphore_mem>>)
        %mul3A_262 = arith.constant 16 : i32
        %mul3A_263 = arith.muli %scan3A_141, %mul3A_262 : i32
        %add3A_264 = arith.constant 9 : i32
        %add3A_265 = arith.addi %mul3A_263, %add3A_264 : i32
        %dma_start3A_266 = arith.constant 1152 : i32
        %dma_start3A_267 = tpu.memref_slice %arg11[%scan3A_141, %dma_start3A_266] : memref<4x2048xf32, #tpu.memory_space<vmem>> -> memref<1x128xf32, #tpu.memory_space<vmem>>
        %dma_start3A_268 = tpu.memref_squeeze %dma_start3A_267 : memref<1x128xf32, #tpu.memory_space<vmem>> -> memref<128xf32, #tpu.memory_space<vmem>>
        %dma_start3A_269 = arith.constant 0 : i32
        %dma_start3A_270 = tpu.memref_slice %arg10[%add3A_265, %dma_start3A_269] : memref<64x128xi32, #tpu.memory_space<vmem>> -> memref<1x128xi32, #tpu.memory_space<vmem>>
        %dma_start3A_271 = tpu.memref_squeeze %dma_start3A_270 : memref<1x128xi32, #tpu.memory_space<vmem>> -> memref<128xi32, #tpu.memory_space<vmem>>
        %dma_start3A_272 = arith.constant 0 : i32
        %dma_start3A_273 = tpu.memref_slice %arg2[%dma_start3A_272] : memref<1920000xf32, #tpu.memory_space<hbm>> -> memref<1920000xf32, #tpu.memory_space<hbm>>
        tpu.enqueue_indirect_dma source(%dma_start3A_273 : memref<1920000xf32, #tpu.memory_space<hbm>>) target(%dma_start3A_268 : memref<128xf32, #tpu.memory_space<vmem>>) offsets(%dma_start3A_271 : memref<128xi32, #tpu.memory_space<vmem>>) semaphore(%arg14 : memref<!tpu.dma_semaphore, #tpu.memory_space<semaphore_mem>>)
        %mul3A_274 = arith.constant 16 : i32
        %mul3A_275 = arith.muli %scan3A_141, %mul3A_274 : i32
        %add3A_276 = arith.constant 10 : i32
        %add3A_277 = arith.addi %mul3A_275, %add3A_276 : i32
        %dma_start3A_278 = arith.constant 1280 : i32
        %dma_start3A_279 = tpu.memref_slice %arg11[%scan3A_141, %dma_start3A_278] : memref<4x2048xf32, #tpu.memory_space<vmem>> -> memref<1x128xf32, #tpu.memory_space<vmem>>
        %dma_start3A_280 = tpu.memref_squeeze %dma_start3A_279 : memref<1x128xf32, #tpu.memory_space<vmem>> -> memref<128xf32, #tpu.memory_space<vmem>>
        %dma_start3A_281 = arith.constant 0 : i32
        %dma_start3A_282 = tpu.memref_slice %arg10[%add3A_277, %dma_start3A_281] : memref<64x128xi32, #tpu.memory_space<vmem>> -> memref<1x128xi32, #tpu.memory_space<vmem>>
        %dma_start3A_283 = tpu.memref_squeeze %dma_start3A_282 : memref<1x128xi32, #tpu.memory_space<vmem>> -> memref<128xi32, #tpu.memory_space<vmem>>
        %dma_start3A_284 = arith.constant 0 : i32
        %dma_start3A_285 = tpu.memref_slice %arg2[%dma_start3A_284] : memref<1920000xf32, #tpu.memory_space<hbm>> -> memref<1920000xf32, #tpu.memory_space<hbm>>
        tpu.enqueue_indirect_dma source(%dma_start3A_285 : memref<1920000xf32, #tpu.memory_space<hbm>>) target(%dma_start3A_280 : memref<128xf32, #tpu.memory_space<vmem>>) offsets(%dma_start3A_283 : memref<128xi32, #tpu.memory_space<vmem>>) semaphore(%arg14 : memref<!tpu.dma_semaphore, #tpu.memory_space<semaphore_mem>>)
        %mul3A_286 = arith.constant 16 : i32
        %mul3A_287 = arith.muli %scan3A_141, %mul3A_286 : i32
        %add3A_288 = arith.constant 11 : i32
        %add3A_289 = arith.addi %mul3A_287, %add3A_288 : i32
        %dma_start3A_290 = arith.constant 1408 : i32
        %dma_start3A_291 = tpu.memref_slice %arg11[%scan3A_141, %dma_start3A_290] : memref<4x2048xf32, #tpu.memory_space<vmem>> -> memref<1x128xf32, #tpu.memory_space<vmem>>
        %dma_start3A_292 = tpu.memref_squeeze %dma_start3A_291 : memref<1x128xf32, #tpu.memory_space<vmem>> -> memref<128xf32, #tpu.memory_space<vmem>>
        %dma_start3A_293 = arith.constant 0 : i32
        %dma_start3A_294 = tpu.memref_slice %arg10[%add3A_289, %dma_start3A_293] : memref<64x128xi32, #tpu.memory_space<vmem>> -> memref<1x128xi32, #tpu.memory_space<vmem>>
        %dma_start3A_295 = tpu.memref_squeeze %dma_start3A_294 : memref<1x128xi32, #tpu.memory_space<vmem>> -> memref<128xi32, #tpu.memory_space<vmem>>
        %dma_start3A_296 = arith.constant 0 : i32
        %dma_start3A_297 = tpu.memref_slice %arg2[%dma_start3A_296] : memref<1920000xf32, #tpu.memory_space<hbm>> -> memref<1920000xf32, #tpu.memory_space<hbm>>
        tpu.enqueue_indirect_dma source(%dma_start3A_297 : memref<1920000xf32, #tpu.memory_space<hbm>>) target(%dma_start3A_292 : memref<128xf32, #tpu.memory_space<vmem>>) offsets(%dma_start3A_295 : memref<128xi32, #tpu.memory_space<vmem>>) semaphore(%arg14 : memref<!tpu.dma_semaphore, #tpu.memory_space<semaphore_mem>>)
        %mul3A_298 = arith.constant 16 : i32
        %mul3A_299 = arith.muli %scan3A_141, %mul3A_298 : i32
        %add3A_300 = arith.constant 12 : i32
        %add3A_301 = arith.addi %mul3A_299, %add3A_300 : i32
        %dma_start3A_302 = arith.constant 1536 : i32
        %dma_start3A_303 = tpu.memref_slice %arg11[%scan3A_141, %dma_start3A_302] : memref<4x2048xf32, #tpu.memory_space<vmem>> -> memref<1x128xf32, #tpu.memory_space<vmem>>
        %dma_start3A_304 = tpu.memref_squeeze %dma_start3A_303 : memref<1x128xf32, #tpu.memory_space<vmem>> -> memref<128xf32, #tpu.memory_space<vmem>>
        %dma_start3A_305 = arith.constant 0 : i32
        %dma_start3A_306 = tpu.memref_slice %arg10[%add3A_301, %dma_start3A_305] : memref<64x128xi32, #tpu.memory_space<vmem>> -> memref<1x128xi32, #tpu.memory_space<vmem>>
        %dma_start3A_307 = tpu.memref_squeeze %dma_start3A_306 : memref<1x128xi32, #tpu.memory_space<vmem>> -> memref<128xi32, #tpu.memory_space<vmem>>
        %dma_start3A_308 = arith.constant 0 : i32
        %dma_start3A_309 = tpu.memref_slice %arg2[%dma_start3A_308] : memref<1920000xf32, #tpu.memory_space<hbm>> -> memref<1920000xf32, #tpu.memory_space<hbm>>
        tpu.enqueue_indirect_dma source(%dma_start3A_309 : memref<1920000xf32, #tpu.memory_space<hbm>>) target(%dma_start3A_304 : memref<128xf32, #tpu.memory_space<vmem>>) offsets(%dma_start3A_307 : memref<128xi32, #tpu.memory_space<vmem>>) semaphore(%arg14 : memref<!tpu.dma_semaphore, #tpu.memory_space<semaphore_mem>>)
        %mul3A_310 = arith.constant 16 : i32
        %mul3A_311 = arith.muli %scan3A_141, %mul3A_310 : i32
        %add3A_312 = arith.constant 13 : i32
        %add3A_313 = arith.addi %mul3A_311, %add3A_312 : i32
        %dma_start3A_314 = arith.constant 1664 : i32
        %dma_start3A_315 = tpu.memref_slice %arg11[%scan3A_141, %dma_start3A_314] : memref<4x2048xf32, #tpu.memory_space<vmem>> -> memref<1x128xf32, #tpu.memory_space<vmem>>
        %dma_start3A_316 = tpu.memref_squeeze %dma_start3A_315 : memref<1x128xf32, #tpu.memory_space<vmem>> -> memref<128xf32, #tpu.memory_space<vmem>>
        %dma_start3A_317 = arith.constant 0 : i32
        %dma_start3A_318 = tpu.memref_slice %arg10[%add3A_313, %dma_start3A_317] : memref<64x128xi32, #tpu.memory_space<vmem>> -> memref<1x128xi32, #tpu.memory_space<vmem>>
        %dma_start3A_319 = tpu.memref_squeeze %dma_start3A_318 : memref<1x128xi32, #tpu.memory_space<vmem>> -> memref<128xi32, #tpu.memory_space<vmem>>
        %dma_start3A_320 = arith.constant 0 : i32
        %dma_start3A_321 = tpu.memref_slice %arg2[%dma_start3A_320] : memref<1920000xf32, #tpu.memory_space<hbm>> -> memref<1920000xf32, #tpu.memory_space<hbm>>
        tpu.enqueue_indirect_dma source(%dma_start3A_321 : memref<1920000xf32, #tpu.memory_space<hbm>>) target(%dma_start3A_316 : memref<128xf32, #tpu.memory_space<vmem>>) offsets(%dma_start3A_319 : memref<128xi32, #tpu.memory_space<vmem>>) semaphore(%arg14 : memref<!tpu.dma_semaphore, #tpu.memory_space<semaphore_mem>>)
        %mul3A_322 = arith.constant 16 : i32
        %mul3A_323 = arith.muli %scan3A_141, %mul3A_322 : i32
        %add3A_324 = arith.constant 14 : i32
        %add3A_325 = arith.addi %mul3A_323, %add3A_324 : i32
        %dma_start3A_326 = arith.constant 1792 : i32
        %dma_start3A_327 = tpu.memref_slice %arg11[%scan3A_141, %dma_start3A_326] : memref<4x2048xf32, #tpu.memory_space<vmem>> -> memref<1x128xf32, #tpu.memory_space<vmem>>
        %dma_start3A_328 = tpu.memref_squeeze %dma_start3A_327 : memref<1x128xf32, #tpu.memory_space<vmem>> -> memref<128xf32, #tpu.memory_space<vmem>>
        %dma_start3A_329 = arith.constant 0 : i32
        %dma_start3A_330 = tpu.memref_slice %arg10[%add3A_325, %dma_start3A_329] : memref<64x128xi32, #tpu.memory_space<vmem>> -> memref<1x128xi32, #tpu.memory_space<vmem>>
        %dma_start3A_331 = tpu.memref_squeeze %dma_start3A_330 : memref<1x128xi32, #tpu.memory_space<vmem>> -> memref<128xi32, #tpu.memory_space<vmem>>
        %dma_start3A_332 = arith.constant 0 : i32
        %dma_start3A_333 = tpu.memref_slice %arg2[%dma_start3A_332] : memref<1920000xf32, #tpu.memory_space<hbm>> -> memref<1920000xf32, #tpu.memory_space<hbm>>
        tpu.enqueue_indirect_dma source(%dma_start3A_333 : memref<1920000xf32, #tpu.memory_space<hbm>>) target(%dma_start3A_328 : memref<128xf32, #tpu.memory_space<vmem>>) offsets(%dma_start3A_331 : memref<128xi32, #tpu.memory_space<vmem>>) semaphore(%arg14 : memref<!tpu.dma_semaphore, #tpu.memory_space<semaphore_mem>>)
        %mul3A_334 = arith.constant 16 : i32
        %mul3A_335 = arith.muli %scan3A_141, %mul3A_334 : i32
        %add3A_336 = arith.constant 15 : i32
        %add3A_337 = arith.addi %mul3A_335, %add3A_336 : i32
        %dma_start3A_338 = arith.constant 1920 : i32
        %dma_start3A_339 = tpu.memref_slice %arg11[%scan3A_141, %dma_start3A_338] : memref<4x2048xf32, #tpu.memory_space<vmem>> -> memref<1x128xf32, #tpu.memory_space<vmem>>
        %dma_start3A_340 = tpu.memref_squeeze %dma_start3A_339 : memref<1x128xf32, #tpu.memory_space<vmem>> -> memref<128xf32, #tpu.memory_space<vmem>>
        %dma_start3A_341 = arith.constant 0 : i32
        %dma_start3A_342 = tpu.memref_slice %arg10[%add3A_337, %dma_start3A_341] : memref<64x128xi32, #tpu.memory_space<vmem>> -> memref<1x128xi32, #tpu.memory_space<vmem>>
        %dma_start3A_343 = tpu.memref_squeeze %dma_start3A_342 : memref<1x128xi32, #tpu.memory_space<vmem>> -> memref<128xi32, #tpu.memory_space<vmem>>
        %dma_start3A_344 = arith.constant 0 : i32
        %dma_start3A_345 = tpu.memref_slice %arg2[%dma_start3A_344] : memref<1920000xf32, #tpu.memory_space<hbm>> -> memref<1920000xf32, #tpu.memory_space<hbm>>
        tpu.enqueue_indirect_dma source(%dma_start3A_345 : memref<1920000xf32, #tpu.memory_space<hbm>>) target(%dma_start3A_340 : memref<128xf32, #tpu.memory_space<vmem>>) offsets(%dma_start3A_343 : memref<128xi32, #tpu.memory_space<vmem>>) semaphore(%arg14 : memref<!tpu.dma_semaphore, #tpu.memory_space<semaphore_mem>>)
        %scan3A_346 = arith.constant 0 : i32
        scf.yield %scan3A_346 : i32
      }
      %scan3A_132 = arith.constant 4 : i32
      %scan3A_133 = arith.constant 0 : i32
      %scan3A_134 = arith.constant 0 : i32
      %scan3A_135 = arith.constant 64 : i32
      %scan3A_136 = arith.addi %scan3A_134, %scan3A_135 : i32
      %scan3A_137 = arith.constant 1 : i32
      %scan3A_138 = scf.for %scan3A_141 = %scan3A_134 to %scan3A_136 step %scan3A_137 iter_args(%scan3A_142 = %scan3A_133) -> (i32)  : i32 {
        %dma_wait3A = arith.constant 0 : i32
        %dma_wait3A_143 = arith.constant 0 : i32
        %dma_wait3A_144 = tpu.memref_slice %arg11[%dma_wait3A, %dma_wait3A_143] : memref<4x2048xf32, #tpu.memory_space<vmem>> -> memref<1x128xf32, #tpu.memory_space<vmem>>
        %dma_wait3A_145 = tpu.memref_squeeze %dma_wait3A_144 : memref<1x128xf32, #tpu.memory_space<vmem>> -> memref<128xf32, #tpu.memory_space<vmem>>
        %dma_wait3A_146 = arith.constant 0 : i32
        %dma_wait3A_147 = tpu.memref_slice %arg2[%dma_wait3A_146] : memref<1920000xf32, #tpu.memory_space<hbm>> -> memref<128xf32, #tpu.memory_space<hbm>>
        %dma_wait3A_148 = arith.constant 0 : i32
        %dma_wait3A_149 = tpu.memref_slice %arg11[%dma_wait3A, %dma_wait3A_148] : memref<4x2048xf32, #tpu.memory_space<vmem>> -> memref<1x128xf32, #tpu.memory_space<vmem>>
        %dma_wait3A_150 = tpu.memref_squeeze %dma_wait3A_149 : memref<1x128xf32, #tpu.memory_space<vmem>> -> memref<128xf32, #tpu.memory_space<vmem>>
        %dma_wait3A_151 = arith.constant 0 : i32
        %dma_wait3A_152 = tpu.memref_slice %arg2[%dma_wait3A_151] : memref<1920000xf32, #tpu.memory_space<hbm>> -> memref<128xf32, #tpu.memory_space<hbm>>
        tpu.wait_dma2 semaphore(%arg14 : memref<!tpu.dma_semaphore, #tpu.memory_space<semaphore_mem>>) src(%dma_wait3A_152 : memref<128xf32, #tpu.memory_space<hbm>>) dst(%dma_wait3A_150 : memref<128xf32, #tpu.memory_space<vmem>>)
        %scan3A_153 = arith.constant 0 : i32
        scf.yield %scan3A_153 : i32
      }
      %scan3A_139 = arith.constant 64 : i32
      "tpu.region"() ({
        %run_scoped3A_141 = tpu.sem_alloc : memref<!tpu.dma_semaphore, #tpu.memory_space<semaphore_mem>>
        %dma_start3A = arith.constant 0 : i32
        %dma_start3A_142 = tpu.memref_slice %arg3[%add3A, %dma_start3A, %add3A_125] : memref<4x4x65536xf32, #tpu.memory_space<hbm>> -> memref<1x4x2048xf32, #tpu.memory_space<hbm>>
        %dma_start3A_143 = tpu.memref_squeeze %dma_start3A_142 : memref<1x4x2048xf32, #tpu.memory_space<hbm>> -> memref<4x2048xf32, #tpu.memory_space<hbm>>
        %dma_start3A_144 = arith.constant 0 : i32
        %dma_start3A_145 = tpu.memref_slice %arg3[%add3A, %dma_start3A_144, %add3A_125] : memref<4x4x65536xf32, #tpu.memory_space<hbm>> -> memref<1x4x2048xf32, #tpu.memory_space<hbm>>
        %dma_start3A_146 = tpu.memref_squeeze %dma_start3A_145 : memref<1x4x2048xf32, #tpu.memory_space<hbm>> -> memref<4x2048xf32, #tpu.memory_space<hbm>>
        tpu.enqueue_dma source(%arg11 : memref<4x2048xf32, #tpu.memory_space<vmem>>) target(%dma_start3A_146 : memref<4x2048xf32, #tpu.memory_space<hbm>>) target_semaphore(%run_scoped3A_141 : memref<!tpu.dma_semaphore, #tpu.memory_space<semaphore_mem>>)
        %dma_wait3A = arith.constant 0 : i32
        %dma_wait3A_147 = tpu.memref_slice %arg3[%add3A, %dma_wait3A, %add3A_125] : memref<4x4x65536xf32, #tpu.memory_space<hbm>> -> memref<1x4x2048xf32, #tpu.memory_space<hbm>>
        %dma_wait3A_148 = tpu.memref_squeeze %dma_wait3A_147 : memref<1x4x2048xf32, #tpu.memory_space<hbm>> -> memref<4x2048xf32, #tpu.memory_space<hbm>>
        %dma_wait3A_149 = arith.constant 0 : i32
        %dma_wait3A_150 = tpu.memref_slice %arg3[%add3A, %dma_wait3A_149, %add3A_125] : memref<4x4x65536xf32, #tpu.memory_space<hbm>> -> memref<1x4x2048xf32, #tpu.memory_space<hbm>>
        %dma_wait3A_151 = tpu.memref_squeeze %dma_wait3A_150 : memref<1x4x2048xf32, #tpu.memory_space<hbm>> -> memref<4x2048xf32, #tpu.memory_space<hbm>>
        tpu.wait_dma2 semaphore(%run_scoped3A_141 : memref<!tpu.dma_semaphore, #tpu.memory_space<semaphore_mem>>) src(%arg11 : memref<4x2048xf32, #tpu.memory_space<vmem>>) dst(%dma_wait3A_151 : memref<4x2048xf32, #tpu.memory_space<hbm>>)
        tpu.yield
      }) : () -> ()
      %scan3A_140 = arith.constant 0 : i32
      scf.yield %scan3A_140 : i32
    }
    %scan3A_120 = arith.constant 4 : i32
    "tpu.trace_stop"() : () -> ()
    return
  }
}

module attributes {stable_mosaic.version = 14 : i64} {
  func.func @_tc_body(%arg0: i32, %arg1: i32, %arg2: memref<64x4xf32, #tpu.memory_space<vmem>>, %arg3: memref<64x1xf32, #tpu.memory_space<vmem>>, %arg4: memref<1x4x4096xf32, #tpu.memory_space<vmem>>, %arg5: memref<1x1x4096xi32, #tpu.memory_space<vmem>>, %arg6: memref<1x64x16x256xf32, #tpu.memory_space<vmem>>) attributes {dimension_semantics = [#tpu.dimension_semantics<arbitrary>, #tpu.dimension_semantics<arbitrary>], iteration_bounds = array<i64: 4, 16>, scalar_prefetch = 0 : i64, scratch_operands = 0 : i64, tpu.core_type = #tpu.core_type<tc>, window_params = [{pipeline_mode = #tpu.pipeline_mode<synchronous>, transform_indices = @transform_0, window_bounds = array<i64: 64, 4>}, {pipeline_mode = #tpu.pipeline_mode<synchronous>, transform_indices = @transform_1, window_bounds = array<i64: 64, 1>}, {transform_indices = @transform_2, window_bounds = array<i64: 1, 4, 4096>}, {transform_indices = @transform_3, window_bounds = array<i64: 1, 1, 4096>}, {transform_indices = @transform_4, window_bounds = array<i64: 1, 64, 16, 256>}]} {
    %get3A = arith.constant 0 : index
    %get3A_0 = arith.constant 0 : index
    %get3A_1 = arith.constant 0 : index
    %get3A_2 = vector.load %arg4[%get3A, %get3A_0, %get3A_1] : memref<1x4x4096xf32, #tpu.memory_space<vmem>>, vector<1x4x4096xf32>
    %get3A_3 = vector.shape_cast %get3A_2 : vector<1x4x4096xf32> to vector<4x4096xf32>
    %get3A_4 = arith.constant 0 : index
    %get3A_5 = arith.constant 0 : index
    %get3A_6 = arith.constant 0 : index
    %get3A_7 = vector.load %arg5[%get3A_4, %get3A_5, %get3A_6] : memref<1x1x4096xi32, #tpu.memory_space<vmem>>, vector<1x1x4096xi32>
    %get3A_8 = vector.shape_cast %get3A_7 : vector<1x1x4096xi32> to vector<1x4096xi32>
    %ge3A = arith.constant 0 : i32
    %ge3A_9 = vector.broadcast %ge3A : i32 to vector<1x4096xi32>
    %ge3A_10 = arith.cmpi sge, %get3A_8, %ge3A_9 : vector<1x4096xi32>
    %get3A_11 = arith.constant 0 : index
    %get3A_12 = arith.constant 0 : index
    %get3A_13 = vector.load %arg2[%get3A_11, %get3A_12] : memref<64x4xf32, #tpu.memory_space<vmem>>, vector<64x4xf32>
    %get3A_14 = arith.constant 0 : index
    %get3A_15 = arith.constant 0 : index
    %get3A_16 = vector.load %arg3[%get3A_14, %get3A_15] : memref<64x1xf32, #tpu.memory_space<vmem>>, vector<64x1xf32>
    %slice3A = vector.extract_strided_slice %get3A_13 {offsets = [0, 0], sizes = [64, 1], strides = [1, 1]} : vector<64x4xf32> to vector<64x1xf32>
    %slice3A_17 = vector.extract_strided_slice %get3A_3 {offsets = [0, 0], sizes = [1, 4096], strides = [1, 1]} : vector<4x4096xf32> to vector<1x4096xf32>
    %mul3A = vector.broadcast %slice3A : vector<64x1xf32> to vector<64x4096xf32>
    %mul3A_18 = vector.broadcast %slice3A_17 : vector<1x4096xf32> to vector<64x4096xf32>
    %mul3A_19 = arith.mulf %mul3A, %mul3A_18 : vector<64x4096xf32>
    %add3A = vector.broadcast %get3A_16 : vector<64x1xf32> to vector<64x4096xf32>
    %add3A_20 = arith.addf %add3A, %mul3A_19 : vector<64x4096xf32>
    %slice3A_21 = vector.extract_strided_slice %get3A_13 {offsets = [0, 1], sizes = [64, 1], strides = [1, 1]} : vector<64x4xf32> to vector<64x1xf32>
    %slice3A_22 = vector.extract_strided_slice %get3A_3 {offsets = [1, 0], sizes = [1, 4096], strides = [1, 1]} : vector<4x4096xf32> to vector<1x4096xf32>
    %mul3A_23 = vector.broadcast %slice3A_21 : vector<64x1xf32> to vector<64x4096xf32>
    %mul3A_24 = vector.broadcast %slice3A_22 : vector<1x4096xf32> to vector<64x4096xf32>
    %mul3A_25 = arith.mulf %mul3A_23, %mul3A_24 : vector<64x4096xf32>
    %add3A_26 = arith.addf %add3A_20, %mul3A_25 : vector<64x4096xf32>
    %slice3A_27 = vector.extract_strided_slice %get3A_13 {offsets = [0, 2], sizes = [64, 1], strides = [1, 1]} : vector<64x4xf32> to vector<64x1xf32>
    %slice3A_28 = vector.extract_strided_slice %get3A_3 {offsets = [2, 0], sizes = [1, 4096], strides = [1, 1]} : vector<4x4096xf32> to vector<1x4096xf32>
    %mul3A_29 = vector.broadcast %slice3A_27 : vector<64x1xf32> to vector<64x4096xf32>
    %mul3A_30 = vector.broadcast %slice3A_28 : vector<1x4096xf32> to vector<64x4096xf32>
    %mul3A_31 = arith.mulf %mul3A_29, %mul3A_30 : vector<64x4096xf32>
    %add3A_32 = arith.addf %add3A_26, %mul3A_31 : vector<64x4096xf32>
    %slice3A_33 = vector.extract_strided_slice %get3A_13 {offsets = [0, 3], sizes = [64, 1], strides = [1, 1]} : vector<64x4xf32> to vector<64x1xf32>
    %slice3A_34 = vector.extract_strided_slice %get3A_3 {offsets = [3, 0], sizes = [1, 4096], strides = [1, 1]} : vector<4x4096xf32> to vector<1x4096xf32>
    %mul3A_35 = vector.broadcast %slice3A_33 : vector<64x1xf32> to vector<64x4096xf32>
    %mul3A_36 = vector.broadcast %slice3A_34 : vector<1x4096xf32> to vector<64x4096xf32>
    %mul3A_37 = arith.mulf %mul3A_35, %mul3A_36 : vector<64x4096xf32>
    %add3A_38 = arith.addf %add3A_32, %mul3A_37 : vector<64x4096xf32>
    %max3A = arith.constant 0.000000e+00 : f32
    %max3A_39 = vector.broadcast %max3A : f32 to vector<64x4096xf32>
    %max3A_40 = arith.maximumf %add3A_38, %max3A_39 : vector<64x4096xf32>
    %jit3A = arith.constant 0.000000e+00 : f32
    %broadcast_in_dim3A = vector.shape_cast %ge3A_10 : vector<1x4096xi1> to vector<1x4096xi1>
    %broadcast_in_dim3A_41 = vector.broadcast %broadcast_in_dim3A : vector<1x4096xi1> to vector<64x4096xi1>
    %broadcast_in_dim3A_42 = vector.broadcast %jit3A : f32 to vector<64x4096xf32>
    %select_n3A = arith.select %broadcast_in_dim3A_41, %max3A_40, %broadcast_in_dim3A_42 : vector<64x4096xi1>, vector<64x4096xf32>
    %reshape3A = vector.shape_cast %select_n3A : vector<64x4096xf32> to vector<64x16x256xf32>
    %swap3A = arith.constant 0 : index
    %swap3A_43 = arith.constant 0 : index
    %swap3A_44 = arith.constant 0 : index
    %swap3A_45 = arith.constant 0 : index
    %swap3A_46 = vector.load %arg6[%swap3A, %swap3A_43, %swap3A_44, %swap3A_45] : memref<1x64x16x256xf32, #tpu.memory_space<vmem>>, vector<1x64x16x256xf32>
    %swap3A_47 = vector.shape_cast %swap3A_46 : vector<1x64x16x256xf32> to vector<64x16x256xf32>
    %swap3A_48 = vector.shape_cast %reshape3A : vector<64x16x256xf32> to vector<1x64x16x256xf32>
    tpu.vector_store %arg6[%swap3A, %swap3A_43, %swap3A_44, %swap3A_45], %swap3A_48 {strides = array<i32>} : memref<1x64x16x256xf32, #tpu.memory_space<vmem>>, vector<1x64x16x256xf32>,
    return
  }
  func.func @transform_0(%arg0: i32, %arg1: i32) -> (i32, i32) {
    %c0_i32 = arith.constant 0 : i32
    %c0_i32_0 = arith.constant 0 : i32
    %c0_i32_1 = arith.constant 0 : i32
    return %c0_i32, %c0_i32_0 : i32, i32
  }
  func.func @transform_1(%arg0: i32, %arg1: i32) -> (i32, i32) {
    %c0_i32 = arith.constant 0 : i32
    %c0_i32_0 = arith.constant 0 : i32
    %c0_i32_1 = arith.constant 0 : i32
    return %c0_i32, %c0_i32_0 : i32, i32
  }
  func.func @transform_2(%arg0: i32, %arg1: i32) -> (i32, i32, i32) {
    %c0_i32 = arith.constant 0 : i32
    %c0_i32_0 = arith.constant 0 : i32
    return %arg0, %c0_i32, %arg1 : i32, i32, i32
  }
  func.func @transform_3(%arg0: i32, %arg1: i32) -> (i32, i32, i32) {
    %c0_i32 = arith.constant 0 : i32
    %c0_i32_0 = arith.constant 0 : i32
    return %arg0, %c0_i32, %arg1 : i32, i32, i32
  }
  func.func @transform_4(%arg0: i32, %arg1: i32) -> (i32, i32, i32, i32) {
    %c0_i32 = arith.constant 0 : i32
    %c0_i32_0 = arith.constant 0 : i32
    %c0_i32_1 = arith.constant 0 : i32
    return %arg0, %c0_i32, %arg1, %c0_i32_0 : i32, i32, i32, i32
  }
}

</mosaic_0001>

<sc_bundles>
// kernel: kernel.4.cloned.1.call-start
scs
__scs_entry_jumppad:
0x0: {  	(pc) =	sbr.rel $0x88, $3  }
0x1: {  	(tag) =	ssettag $0x0;
	lr =	simm.s32 $0x1  }
0x2: {  	[smem:$0x3F9A] =	sst lr;
	_ =	strace $0xD0000000  }
0x3: {  	_ = 	snop  }
0x4: {  	_ = 	snop  }
0x5: {  	_ = 	snop  }
0x6: {  	_ = 	snop  }
0x7: {  	_ = 	snop  }
__scs_overlays_trampoline_lowered:
0x8: {  	[smem:$0x3FA9] =	sst s0  }
0x9: {  	[smem:$0x3FAA] =	sst s1  }
0xa: {  	[smem:$0x3FAB] =	sst s2  }
0xb: {  	[smem:$0x3FAC] =	sst s3  }
0xc: {  	[smem:$0x3FAD] =	sst s4  }
0xd: {  	[smem:$0x3FAE] =	sst s5  }
0xe: {  	[smem:$0x3FAF] =	sst s6  }
0xf: {  	[smem:$0x3FB0] =	sst s7  }
0x10: {  	[smem:$0x3FB1] =	sst s8  }
0x11: {  	[smem:$0x3FB2] =	sst s9;
	s0 =	simm.s32 @!p0 $0x0  }
0x12: {  	s1 =	sld [smem:$0x3F98];
	s0 =	simm.s32 @p0 $0x1  }
0x13: {  	[smem:$0x3FB3] =	sst s0;
	s0 =	simm.s32 @!p1 $0x0  }
0x14: {  	s2 =	sld [smem:$0x3F97];
	s0 =	simm.s32 @p1 $0x1  }
0x15: {  	[smem:$0x3FB4] =	sst s0;
	s0 =	simm.s32 @!p2 $0x0  }
0x16: {  	s3 =	sld [smem:$0x3FDB];
	s0 =	simm.s32 @p2 $0x1  }
0x17: {  	s4 =	simm.s32 $0x1BF5;
	[smem:$0x3FB6] =	sst s0  }
0x18: {  	s0 =	sld [smem:$0x3F99];
	_ =	swait.ge [sflag:s4], $0x0  }
0x19: {  	s7 =	sld [smem:$0x3F9A]  }
0x1a: {  	s8 =	sadd.s32 $0xFFFFE003, lr  }
0x1b: {  	s9 =	sadd.s32 $0xFFFFFEF7, lr;
	s5 =	simm.s32 $0xFFFFFFFF;
	p2 =	slt.u32 s8, $0xFFFFF086  }
0x1c: {  	p1 =	slt.u32 s9, $0xF7A;
	s5 =	simm.s32 @!p2 $0x0  }
0x1d: {  	s5 =	simm.s32 @p1 $0x1;
	p0 =	seq.s32 s7, s2  }
0x1e: {  	s7 =	smul.u32 @!p0 $0xF7A, s2;
	p2 =	seq.s32 @!p0 s5, $0x0  }
0x1f: {  	s9 =	smul.u32 $0xF7A, s1;
	s8 =	simm.s32 @!p0 $0x1BF5;
	p2 =	por !p2, p0  }
0x20: {  	[sflag:s8] =	ssyncset.s32 @!p0 $0xFFFFF086;
	s6 =	sadd.s32 @!p0 s3, s7;
	s7 =	simm.s32 @!p0 $0x108  }
0x21: {  	s3 =	sadd.s32 s3, s9;
	s6 =	sadd.s32 @!p0 $0x88, s6;
	s7 =	simm.s32 @p2 $0x1082  }
0x22: {  	[simem:s7], [sflag:s8] =	dma.local @!p0 [hbm:s6], $0xF7A  }
0x23: {  	s9 =	sor.u32 $0xD0000000, s2;
	s6 =	simm.s32 $0x108;
	_ =	swait.ge @!p0 [sflag:s8], $0x0  }
0x24: {  	s3 =	sadd.s32 $0x88, s3;
	s6 =	simm.s32 @!p1 $0x1082;
	[sflag:s4] =	ssyncset.s32 $0xFFFFF086  }
0x25: {  	[simem:s6], [sflag:s4] =	dma.local [hbm:s3], $0xF7A  }
0x26: {  	[smem:$0x3F9A] =	sst s1;
	(tag) =	ssettag s2;
	_ =	strace s9  }
0x27: {  	s1 =	sld [smem:$0x3FAA]  }
0x28: {  	s2 =	sld [smem:$0x3FAB]  }
0x29: {  	s4 =	sld [smem:$0x3FAD]  }
0x2a: {  	p0 =	seq.s32 s5, $0x0;
	s5 =	sld [smem:$0x3FAE]  }
0x2b: {  	s6 =	sld [smem:$0x3FAF]  }
0x2c: {  	s7 =	sld [smem:$0x3FB0]  }
0x2d: {  	s3 =	simm.s32 $0x108;
	s8 =	sld [smem:$0x3FB1]  }
0x2e: {  	s3 =	simm.s32 @!p0 $0x1082;
	s9 =	sld [smem:$0x3FB2]  }
0x2f: {  	lr =	sadd.s32 s0, s3;
	s0 =	sld [smem:$0x3FA9]  }
0x30: {  	s3 =	sld [smem:$0x3FAC]  }
0x31: {  	[smem:$0x3FB5] =	sst s10  }
0x32: {  	s10 =	sld [smem:$0x3FB3];
	_ =	sdelay $0x3  }
0x33: {  	p0 =	seq.s32 s10, $0x1;
	s10 =	sld [smem:$0x3FB5];
	_ =	sdelay $0x3  }
0x34: {  	[smem:$0x3FB5] =	sst s10  }
0x35: {  	s10 =	sld [smem:$0x3FB4];
	_ =	sdelay $0x3  }
0x36: {  	p1 =	seq.s32 s10, $0x1;
	s10 =	sld [smem:$0x3FB5];
	_ =	sdelay $0x3  }
0x37: {  	[smem:$0x3FB5] =	sst s10  }
0x38: {  	s10 =	sld [smem:$0x3FB6]  }
0x39: {  	_ = 	snop;
	(pc) =	sbr.ind lr, $3  }
0x3a: {  	_ = 	snop  }
0x3b: {  	_ = 	snop  }
0x3c: {  	p2 =	seq.s32 s10, $0x1;
	s10 =	sld [smem:$0x3FB5]  }
0x3d: {  	_ =	shalt  }
0x3e: {  	_ =	shalt  }
0x3f: {  	_ =	shalt  }
0x40: {  	_ =	shalt  }
0x41: {  	_ =	shalt  }
0x42: {  	_ =	shalt  }
0x43: {  	_ =	shalt  }
0x44: {  	_ =	shalt  }
0x45: {  	_ =	shalt  }
0x46: {  	_ =	shalt  }
0x47: {  	_ =	shalt  }
0x48: {  	_ =	shalt  }
0x49: {  	_ =	shalt  }
0x4a: {  	_ =	shalt  }
0x4b: {  	_ =	shalt  }
0x4c: {  	_ =	shalt  }
0x4d: {  	_ =	shalt  }
0x4e: {  	_ =	shalt  }
0x4f: {  	_ =	shalt  }
0x50: {  	_ =	shalt  }
0x51: {  	_ =	shalt  }
0x52: {  	_ =	shalt  }
0x53: {  	_ =	shalt  }
0x54: {  	_ =	shalt  }
0x55: {  	_ =	shalt  }
0x56: {  	_ =	shalt  }
0x57: {  	_ =	shalt  }
0x58: {  	_ =	shalt  }
0x59: {  	_ =	shalt  }
0x5a: {  	_ =	shalt  }
0x5b: {  	_ =	shalt  }
0x5c: {  	_ =	shalt  }
0x5d: {  	_ =	shalt  }
0x5e: {  	_ =	shalt  }
0x5f: {  	_ =	shalt  }
0x60: {  	_ =	shalt  }
0x61: {  	_ =	shalt  }
0x62: {  	_ =	shalt  }
0x63: {  	_ =	shalt  }
0x64: {  	_ =	shalt  }
0x65: {  	_ =	shalt  }
0x66: {  	_ =	shalt  }
0x67: {  	_ =	shalt  }
0x68: {  	_ =	shalt  }
0x69: {  	_ =	shalt  }
0x6a: {  	_ =	shalt  }
0x6b: {  	_ =	shalt  }
0x6c: {  	_ =	shalt  }
0x6d: {  	_ =	shalt  }
0x6e: {  	_ =	shalt  }
0x6f: {  	_ =	shalt  }
0x70: {  	_ =	shalt  }
0x71: {  	_ =	shalt  }
0x72: {  	_ =	shalt  }
0x73: {  	_ =	shalt  }
0x74: {  	_ =	shalt  }
0x75: {  	_ =	shalt  }
0x76: {  	_ =	shalt  }
0x77: {  	_ =	shalt  }
0x78: {  	_ =	shalt  }
0x79: {  	_ =	shalt  }
0x7a: {  	_ =	shalt  }
0x7b: {  	_ =	shalt  }
0x7c: {  	_ =	shalt  }
0x7d: {  	_ =	shalt  }
0x7e: {  	_ =	shalt  }
0x7f: {  	_ =	shalt  }
0x80: {  	_ =	shalt  }
0x81: {  	_ =	shalt  }
0x82: {  	_ =	shalt  }
0x83: {  	_ =	shalt  }
0x84: {  	_ =	shalt  }
0x85: {  	_ =	shalt  }
0x86: {  	_ =	shalt  }
0x87: {  	_ =	shalt  }
.Lfunc_end0:
.L_simem_size_0:
called_computation_lowered:
.L_overlay_start_0:
0x88: {  	s2 =	sld [smem:$0x3FD9]  }
0x89: {  	s3 =	sld [smem:$0x3FFE];
	_ =	sdelay $0x1  }
0x8a: {  	s1 =	srdreg.scid  }
0x8b: {  	s0 =	sand.u32 $0x1, s1  }
0x8c: {  	s17 =	sshll.u32 s0, $0xA;
	s2 =	sadd.s32 s3, s2  }
0x8d: {  	s2 =	sadd.s32 s2, s17  }
0x8e: {  	[smem:$0x3FC1] =	sst s2  }
0x8f: {  	_ = 	snop  }
0x90: {  	s2 =	sld [smem:$0x3FD0];
	(tm) =	ssettm $0x1  }
0x91: {  	s18 =	sld [smem:$0x3FFB];
	_ =	sdelay $0x3  }
0x92: {  	_ =	strace s18  }
0x93: {  	s3 =	sld [smem:$0x3FFC];
	_ =	sdelay $0x3  }
0x94: {  	_ =	strace s3  }
0x95: {  	s3 =	sld [smem:$0x3FFD];
	_ =	sdelay $0x3  }
0x96: {  	_ =	strace s3  }
0x97: {  	_ =	strace $0x8FFFFFFF  }
0x98: {  	s19 =	sld [smem:$0x3FDB];
	_ =	sdelay $0x1  }
0x99: {  	s4 =	simm.s32 $_scs_section_size  }
0x9a: {  	s5 =	simm.s32 $_size__tile_overlayer_lowered;
	s6 =	simm.s32 $_tile_overlayer_lowered  }
0x9b: {  	s22 =	simm.s32 $0x1BFF;
	s21 =	sshll.u32 s6, $0x1;
	s3 =	sadd.s32 s4, s19  }
0x9c: {  	s7 =	simm.s32 $0x0;
	s20 =	sshll.u32 s5, $0x1;
	s5 =	sadd.s32 s21, s3  }
0x9d: {  	[timem:s7], [sflag:s22] =	dma.local [hbm:s5], s20  }
0x9e: {  	_ =	swait.ge [sflag:s22], s20  }
0x9f: {  	s4 =	ssub.s32 $0x0, s20;
	[sflag:s22] =	ssyncset.done $0x0  }
0xa0: {  	[sflag:s22] =	ssyncadd.s32 s4;
	_ =	sdelay $0x1  }
0xa1: {  	s23 =	simm.s32 $0x1B8B  }
0xa2: {  	_ =	swait.ge [sflag:s23], $0x1  }
0xa3: {  	[sflag:s23] =	ssyncset.done $0x0  }
0xa4: {  	s25 =	simm.s32 $0x1B8E;
	s24 =	sld [smem:$0x3FFE];
	[sflag:s23] =	ssyncadd.s32 $0xFFFFFFFF  }
0xa5: {  	s26 =	simm.s32 $execute0_lowered;
	[smem:$0x3FD2] =	sst s25  }
0xa6: {  	s5 =	sshll.u32 s26, $0x1;
	_ =	strace $0x80000046;
	[dreg:$0x1] =	wrdreg $0xFFFFFFFF  }
0xa7: {  	s28 =	simm.s32 $_size_execute0_lowered;
	s3 =	sadd.s32 s3, s5;
	[dreg:$0x0] =	wrdreg $0x0  }
0xa8: {  	s5 =	sshll.u32 s28, $0x1;
	[dreg:$0x2] =	wrdreg s3  }
0xa9: {  	[dreg:$0x3] =	wrdreg s5  }
0xaa: {  	[dreg:$0x4] =	wrdreg $0xC0  }
0xab: {  	_ =	task [dreg:s7], $0x5FFFF  }
0xac: {  	[dreg:$0x1] =	wrdreg $0xFFFFFFFF  }
0xad: {  	[dreg:$0x0] =	wrdreg $0x60  }
0xae: {  	[dreg:$0x2] =	wrdreg s24  }
0xaf: {  	[dreg:$0x3] =	wrdreg s2  }
0xb0: {  	[dreg:$0x4] =	wrdreg $0x9  }
0xb1: {  	_ =	task.clear_ibuf [dreg:s7], $0x5FFFF;
	_ =	strace $0x90000046  }
0xb2: {  	s29 =	simm.s32 $0x9;
	_ =	strace $0x8000004C  }
0xb3: {  	_ =	swait.ge [sflag:s29], $0x1  }
0xb4: {  	[sflag:s29] =	ssyncadd.s32 $0xFFFFFFFF  }
0xb5: {  	_ =	strace $0x9000004C  }
0xb6: {  	_ =	sfence  }
0xb7: {  	s30 =	sld [smem:$0x0];
	_ =	sdelay $0x2  }
0xb8: {  	s31 =	sshll.u32 s1, $0xD;
	s1 =	sshrl.u32 s1, $0x2  }
0xb9: {  	s3 =	sand.u32 $0x4000, s31;
	s1 =	sadd.s32 s1, s30  }
0xba: {  	s0 =	sor.u32 s3, s0;
	s1 =	sshll.u32 s1, $0x11  }
0xbb: {  	s0 =	sor.u32 s1, s0  }
0xbc: {  	s0 =	sadd.s32 $0x8F2B, s0  }
0xbd: {  	[sflag:s0] =	ssyncadd.remote.s32 $0x1  }
0xbe: {  	_ =	sfence.sel $0xFFFF  }
0xbf: {  	[dreg:$0x0] =	wrdreg $0xFFFFFFFF;
	(pc) =	sbr.abs _section_cstart, $3  }
0xc0: {  	[dreg:$0x1] =	wrdreg $0xFFFFFFFF  }
0xc1: {  	_ =	task.clear_ibuf [dreg:s7], $0x2FFFF;
	_ =	strace $0x9FFFFFFF  }
0xc2: {  	(tm) =	ssettm $0x7FFFFFFF  }
0xc3: {  	_ =	shalt  }
tec
execute0_lowered:
.L_overlay_start_1:
0x0: {  	(tag) =	ssettag $0x1  }
0x1: {  	s0 =	rddreg [dreg:$0x0]  }
0x2: {  	s1 =	rddreg [dreg:$0x1];
	s3 =	srdreg.scid  }
0x3: {  	s2 =	simm.s32 $0x0;
	s18 =	stileid.u32;
	s19 =	simm.s32 $0x80  }
0x4: {  	s20 =	simm.s32 $0x400;
	s22 =	simm.s32 $0x17800;
	s10 =	sand.u32 $0x1, s3  }
0x5: {  	[smem:$0x7FF] =	sst s2;
	s4 =	sshrl.u32 s18, $0x3;
	s11 =	sand.u32 $0x7, s18  }
0x6: {  	s5 =	sadd.s32 $0x3C400, s0;
	s17 =	sshll.u32 s18, $0x4;
	s3 =	sshll.u32 s10, $0x1  }
0x7: {  	_ =	strace $0x80000047;
	s9 =	ssub.s32 $0x2, s10;
	s10 =	sshll.u32 s10, $0x4  }
0x8: {  	s17 =	sand.u32 $0x70, s17;
	s12 =	sor.u32 s4, s3;
	s3 =	sadd.s32 $0x1A00, s0  }
0x9: {  	s4 =	sshll.u32 s11, $0xD;
	s23 =	sshrl.u32 s9, $0x1;
	s28 =	sor.u32 s18, s10  }
0xa: {  	s18 =	sand.u32 $0x8, s18;
	s17 =	sadd.s32 s1, s17;
	s6 =	sshll.u32 s12, $0x10  }
0xb: {  	s15 =	ssub.s32 s9, s23;
	s10 =	sor.u32 s18, s10;
	s18 =	simm.s32 $0x2  }
0xc: {  	v0 =	vimm.f32 $4.000000060e-01;
	s23 =	simm.s32 $0x1;
	s7 =	sor.u32 s4, s6;
	s6 =	smul.u32 $0x3A98, s11  }
0xd: {  	(erf) = vrcp.f32 v0;
	v0 =	vimm.f32 $8.000000000e+00;
	s10 =	sor.u32 s11, s10;
	s31 =	smax.u32 s15, $0x1;
	s15 =	simm.s32 $0x15800  }
0xe: {  	(erf) = vrcp.f32 v0;
	s8 =	sshrl.u32 s7, $0x3;
	s7 =	smul.u32 $0x75300, s12;
	s10 =	sshll.u32 s10, $0xD  }
0xf: {  	[dreg:$0x8] =	wrdreg s31;
	s0 =	sadd.s32 s8, s0;
	s13 =	sadd.s32 $0x3800, s6  }
0x10: {  	s8 =	sadd.s32 $0x1D4C0, s7;
	s14 =	sadd.s32 s13, s7;
	s9 =	sadd.s32 $0x3A980, s7  }
0x11: {  	s0 =	sadd.s32 $0x5C400, s0;
	s14 =	sshrl.u32 s14, $0x3;
	s16 =	sadd.s32 s13, s8  }
0x12: {  	s25 =	sadd.s32 s13, s9;
	[dreg:$0x7] =	wrdreg s0;
	s14 =	sadd.s32 s3, s14  }
0x13: {  	s24 =	sshrl.u32 s16, $0x3;
	s26 =	sshrl.u32 s25, $0x3;
	s16 =	sshll.u32 s28, $0xD  }
0x14: {  	s25 =	simm.s32 $0x0;
	[dreg:$0x3] =	wrdreg s14;
	s14 =	sadd.s32 s3, s24  }
0x15: {  	s16 =	sand.u32 $0x30000, s16;
	s29 =	sadd.s32 s3, s26;
	[dreg:$0x4] =	wrdreg s14  }
0x16: {  	s24 =	simm.s32 $0x13800;
	[dreg:$0x5] =	wrdreg s29;
	s30 =	sadd.s32 s16, s17;
	v0 =	vpop (erf)  }
0x17: {  	v3 =	vimm.s32 $0xFFFFFFFF;
	v4 =	vlaneseq.u32;
	v2 =	vmov s13;
	s14 =	sadd.s32 s1, s10;
	s16 =	sshll.u32 s12, $0x12;
	[dreg:$0x6] =	wrdreg s30;
	v1 =	vpop (erf)  }
.LBB2_1:
0x18: {  	_ =	strace $0x80000048;
	s0 =	simm.s32 $0x0;
	s1 =	simm.s32 $0x200  }
.LBB2_2:
0x19: {  	p0 =	sne.s32 s1, $0x3FE00;
	[tilespmem:s0+$0x70] =	vst v3  }
0x1a: {  	[tilespmem:s0+$0x0] =	vst v3  }
0x1b: {  	[tilespmem:s0+$0x10] =	vst v3  }
.Ltmp0:
0x1c: {  	[tilespmem:s0+$0x20] =	vst v3;
	(pc) =	sbr.rel @p0 .LBB2_2-.Ltmp0, $4  }
0x1d: {  	[tilespmem:s0+$0x30] =	vst v3  }
0x1e: {  	[tilespmem:s0+$0x40] =	vst v3  }
0x1f: {  	[tilespmem:s0+$0x50] =	vst v3  }
0x20: {  	[tilespmem:s0+$0x60] =	vst v3;
	s0 =	sshra.s32 s1, $0x2;
	s1 =	sadd.s32 $0x200, s1  }
0x21: {  	[tilespmem:s0+$0x70] =	vst v3  }
0x22: {  	[tilespmem:s0+$0x0] =	vst v3  }
0x23: {  	[tilespmem:s0+$0x10] =	vst v3  }
0x24: {  	[tilespmem:s0+$0x20] =	vst v3  }
0x25: {  	[tilespmem:s0+$0x30] =	vst v3  }
0x26: {  	[tilespmem:s0+$0x40] =	vst v3  }
0x27: {  	[tilespmem:s0+$0x50] =	vst v3  }
0x28: {  	[tilespmem:s0+$0x60] =	vst v3  }
0x29: {  	_ =	strace $0x90000048  }
0x2a: {  	s26 =	simm.s32 $0x0;
	s28 =	simm.s32 $0x0;
	_ =	strace $0x80000049  }
.LBB2_4:
0x2b: {  	s0 =	sshll.u32 s28, $0xB  }
0x2c: {  	s29 =	sadd.s32 s6, s0  }
0x2d: {  	s0 =	sadd.s32 s7, s29  }
0x2e: {  	s0 =	sshrl.u32 s0, $0x3  }
0x2f: {  	s30 =	simm.s32 $0x10000;
	s0 =	sadd.s32 s3, s0  }
0x30: {  	[tilespmem:s30], [sflag:$0x2] =	stream.linear.gather [hbm4b:s0+s26], $0x800, $0x200038;
	[tilespmem:$0x19800] =	vst v63  }
0x31: {  	s17 =	sadd.s32 s29, s8;
	_ =	swait.ge [sflag:s18], $0x800  }
0x32: {  	s0 =	sshrl.u32 s17, $0x3;
	[sflag:s18] =	ssyncset.done $0x0  }
0x33: {  	s31 =	simm.s32 $0x10800;
	s0 =	sadd.s32 s3, s0;
	[sflag:s18] =	ssyncadd.s32 $0xFFFFF800  }
0x34: {  	[tilespmem:s31], [sflag:$0x2] =	stream.linear.gather [hbm4b:s0+s26], $0x800, $0x200038;
	[tilespmem:$0x19800] =	vst v63  }
0x35: {  	s21 =	sadd.s32 s29, s9;
	_ =	swait.ge [sflag:s18], $0x800  }
0x36: {  	s0 =	sshrl.u32 s21, $0x3;
	[sflag:s18] =	ssyncset.done $0x0  }
0x37: {  	s1 =	simm.s32 $0x11000;
	s0 =	sadd.s32 s3, s0;
	[sflag:s18] =	ssyncadd.s32 $0xFFFFF800  }
0x38: {  	[tilespmem:s1], [sflag:$0x2] =	stream.linear.gather [hbm4b:s0+s26], $0x800, $0x200038;
	[tilespmem:$0x19800] =	vst v63  }
0x39: {  	_ =	swait.ge [sflag:s18], $0x800  }
0x3a: {  	[sflag:s18] =	ssyncset.done $0x0  }
0x3b: {  	[sflag:s18] =	ssyncadd.s32 $0xFFFFF800  }
0x3c: {  	v7 =	vld [tilespmem:s31+$0x0]  }
0x3d: {  	v6 =	vld [tilespmem:s30+$0x0]  }
0x3e: {  	s10 =	simm.s32 $0x10;
	s0 =	simm.s32 $0x0;
	v5 =	vld [tilespmem:s1+$0x0]  }
.LBB2_5:
0x3f: {  	_ =	sdelay $0x1  }
0x40: {  	s30 =	sadd.s32 $0x10, s30;
	s31 =	sadd.s32 $0x10, s31;
	s1 =	sadd.s32 $0x10, s1;
	v7 =	vadd.f32 $5.120000080e+01, v7  }
0x41: {  	p0 =	sne.s32 s10, $0x7F0;
	s11 =	smov.u32 s10;
	s10 =	sadd.s32 $0x10, s10;
	v6 =	vadd.f32 $5.120000080e+01, v6  }
0x42: {  	v7 =	vmul.f32 v7, v0;
	v5 =	vadd.f32 $5.000000000e+00, v5  }
0x43: {  	v6 =	vmul.f32 v6, v0  }
0x44: {  	v5 =	vmul.f32 v5, v1;
	vm0 =	vgt.f32 v7, $-1.000000000e+00;
	v8 =	vmax.f32 v7, $-1.000000000e+00  }
0x45: {  	vm1 =	vgt.f32 v6, $-1.000000000e+00;
	v9 =	vmax.f32 v6, $-1.000000000e+00;
	v8 =	vmin.f32 v8, $2.560000000e+02  }
0x46: {  	vm0 =	vmand vm1, vm0;
	v9 =	vmin.f32 v9, $2.560000000e+02;
	v8 =	vtrunc.f32 v8  }
0x47: {  	vm1 =	vlt.f32 v7, $2.560000000e+02;
	v7 =	vtrunc.f32 v9;
	v8 =	vcvt.f32.s32 v8  }
0x48: {  	vm2 =	vlt.f32 v6, $2.560000000e+02;
	v6 =	vcvt.f32.s32 v7  }
0x49: {  	v5 =	vand.u32 $0x7FFFFFFF, v5;
	vm0 =	vmand vm0, vm2;
	v7 =	vshll.u32 v8, $0x8  }
0x4a: {  	vm0 =	vmand vm1, vm0;
	vm1 =	vlt.f32 v5, $1.000000000e+00;
	v5 =	vadd.s32 v6, v7  }
0x4b: {  	vm0 =	vmand vm0, vm1;
	v6 =	vand.u32 $0x7F, v6;
	v5 =	vand.u32 $0xFF80, v5  }
0x4c: {  	v5 =	vor.u32 v6, v5;
	_ =	sdelay $0x2  }
0x4d: {  	s12 =	sadd.s32 s29, s0;
	s0 =	smov.u32 s11  }
.Ltmp1:
0x4e: {  	v6 =	vadd.s32 s12, v4;
	(pc) =	sbr.rel @p0 .LBB2_5-.Ltmp1, $4  }
0x4f: {  	[tilespmem:v5+s2+$0x0] =	vst.idx.msk vm0, v6  }
0x50: {  	v7 =	vld [tilespmem:s31+$0x0]  }
0x51: {  	v6 =	vld [tilespmem:s30+$0x0]  }
0x52: {  	v5 =	vld [tilespmem:s1+$0x0]  }
0x53: {  	_ =	sdelay $0x1  }
0x54: {  	v7 =	vadd.f32 $5.120000080e+01, v7  }
0x55: {  	v6 =	vadd.f32 $5.120000080e+01, v6  }
0x56: {  	v7 =	vmul.f32 v7, v0;
	v5 =	vadd.f32 $5.000000000e+00, v5  }
0x57: {  	v6 =	vmul.f32 v6, v0  }
0x58: {  	v5 =	vmul.f32 v5, v1;
	v8 =	vmax.f32 v7, $-1.000000000e+00  }
0x59: {  	vm0 =	vgt.f32 v7, $-1.000000000e+00;
	v9 =	vmax.f32 v6, $-1.000000000e+00;
	v8 =	vmin.f32 v8, $2.560000000e+02  }
0x5a: {  	vm14 =	vlt.f32 v7, $2.560000000e+02;
	v9 =	vmin.f32 v9, $2.560000000e+02;
	v8 =	vtrunc.f32 v8  }
0x5b: {  	vm1 =	vgt.f32 v6, $-1.000000000e+00;
	v9 =	vtrunc.f32 v9;
	v8 =	vcvt.f32.s32 v8  }
0x5c: {  	vm2 =	vlt.f32 v6, $2.560000000e+02;
	vm0 =	vmand vm1, vm0;
	v6 =	vcvt.f32.s32 v9  }
0x5d: {  	v5 =	vand.u32 $0x7FFFFFFF, v5;
	vm0 =	vmand vm0, vm2;
	v7 =	vshll.u32 v8, $0x8  }
0x5e: {  	vm15 =	vlt.f32 v5, $1.000000000e+00;
	vm0 =	vmand vm14, vm0;
	v5 =	vadd.s32 v6, v7  }
0x5f: {  	s28 =	sadd.s32 $0x1, s28;
	vm0 =	vmand vm0, vm15;
	v6 =	vand.u32 $0x7F, v6;
	v5 =	vand.u32 $0xFF80, v5  }
0x60: {  	p0 =	sne.s32 s28, $0x7;
	v5 =	vor.u32 v6, v5  }
.Ltmp2:
0x61: {  	_ = 	snop;
	(pc) =	sbr.rel @p0 .LBB2_4-.Ltmp2, $4  }
0x62: {  	_ = 	snop  }
0x63: {  	s0 =	sadd.s32 s29, s0  }
0x64: {  	v6 =	vadd.s32 s0, v4  }
0x65: {  	[tilespmem:v5+s2+$0x0] =	vst.idx.msk vm0, v6  }
0x66: {  	s1 =	simm.s32 $0x0;
	s26 =	simm.s32 $0x10000;
	s0 =	rddreg [dreg:$0x3]  }
0x67: {  	[tilespmem:s26], [sflag:$0x2] =	stream.linear.gather [hbm4b:s0+s1], $0x298, $0x200038;
	[tilespmem:$0x19800] =	vst v63  }
0x68: {  	_ =	swait.ge [sflag:s18], $0x298  }
0x69: {  	[sflag:s18] =	ssyncset.done $0x0  }
0x6a: {  	s28 =	simm.s32 $0x10800;
	s31 =	rddreg [dreg:$0x4];
	[sflag:s18] =	ssyncadd.s32 $0xFFFFFD68  }
0x6b: {  	[tilespmem:s28], [sflag:$0x2] =	stream.linear.gather [hbm4b:s31+s1], $0x298, $0x200038;
	[tilespmem:$0x19800] =	vst v63  }
0x6c: {  	_ =	swait.ge [sflag:s18], $0x298  }
0x6d: {  	[sflag:s18] =	ssyncset.done $0x0  }
0x6e: {  	s0 =	simm.s32 $0x11000;
	s10 =	rddreg [dreg:$0x5];
	[sflag:s18] =	ssyncadd.s32 $0xFFFFFD68  }
0x6f: {  	[tilespmem:s0], [sflag:$0x2] =	stream.linear.gather [hbm4b:s10+s1], $0x298, $0x200038;
	[tilespmem:$0x19800] =	vst v63  }
0x70: {  	_ =	swait.ge [sflag:s18], $0x298  }
0x71: {  	[sflag:s18] =	ssyncset.done $0x0  }
0x72: {  	[sflag:s18] =	ssyncadd.s32 $0xFFFFFD68  }
0x73: {  	v5 =	vld [tilespmem:s26+$0x0]  }
0x74: {  	v6 =	vld [tilespmem:s28+$0x0]  }
0x75: {  	v7 =	vld [tilespmem:s0+$0x0];
	_ =	sdelay $0x2  }
0x76: {  	v5 =	vadd.f32 $5.120000080e+01, v5  }
0x77: {  	v6 =	vadd.f32 $5.120000080e+01, v6  }
0x78: {  	v7 =	vadd.f32 $5.000000000e+00, v7;
	v5 =	vmul.f32 v5, v0  }
0x79: {  	v6 =	vmul.f32 v6, v0  }
0x7a: {  	v7 =	vmul.f32 v7, v1;
	vm0 =	vgt.f32 v5, $-1.000000000e+00  }
0x7b: {  	v8 =	vmax.f32 v5, $-1.000000000e+00;
	v9 =	vmax.f32 v6, $-1.000000000e+00;
	vm1 =	vgt.f32 v6, $-1.000000000e+00  }
0x7c: {  	v7 =	vand.u32 $0x7FFFFFFF, v7;
	vm2 =	vlt.f32 v6, $2.560000000e+02;
	v9 =	vmin.f32 v9, $2.560000000e+02  }
0x7d: {  	v8 =	vmin.f32 v8, $2.560000000e+02;
	vm0 =	vmand vm0, vm1;
	v9 =	vtrunc.f32 v9  }
0x7e: {  	vm1 =	vlt.f32 v5, $2.560000000e+02;
	v5 =	vtrunc.f32 v8;
	v8 =	vcvt.f32.s32 v9  }
0x7f: {  	vm0 =	vmand vm0, vm1;
	vm1 =	vlt.f32 v7, $1.000000000e+00;
	v6 =	vcvt.f32.s32 v5  }
0x80: {  	vm0 =	vmand vm2, vm0;
	v5 =	vor.u32 s1, v4;
	v7 =	vshll.u32 v8, $0x8  }
0x81: {  	vm0 =	vmand vm0, vm1;
	vm1 =	vlt.u32 v5, $0x298;
	v7 =	vadd.s32 v6, v7  }
0x82: {  	vm0 =	vmand vm1, vm0;
	v6 =	vand.u32 $0x7F, v6;
	v7 =	vand.u32 $0xFF80, v7  }
0x83: {  	s1 =	simm.s32 $0x10;
	v6 =	vor.u32 v6, v7  }
.LBB2_8:
0x84: {  	_ = 	snop  }
0x85: {  	s26 =	sadd.s32 $0x10, s26;
	s28 =	sadd.s32 $0x10, s28;
	s0 =	sadd.s32 $0x10, s0  }
0x86: {  	p0 =	sne.s32 s1, $0x290;
	s10 =	smov.u32 s1;
	s1 =	sadd.s32 $0x10, s1  }
0x87: {  	v5 =	vadd.s32 v2, v5  }
0x88: {  	[tilespmem:v6+s2+$0x0] =	vst.idx.msk vm0, v5  }
0x89: {  	v5 =	vld [tilespmem:s26+$0x0]  }
0x8a: {  	v6 =	vld [tilespmem:s28+$0x0]  }
0x8b: {  	v7 =	vld [tilespmem:s0+$0x0];
	_ =	sdelay $0x2  }
0x8c: {  	v5 =	vadd.f32 $5.120000080e+01, v5  }
0x8d: {  	v6 =	vadd.f32 $5.120000080e+01, v6  }
0x8e: {  	v5 =	vmul.f32 v5, v0;
	v7 =	vadd.f32 $5.000000000e+00, v7  }
0x8f: {  	v6 =	vmul.f32 v6, v0  }
0x90: {  	v7 =	vmul.f32 v7, v1;
	vm0 =	vgt.f32 v5, $-1.000000000e+00;
	v8 =	vmax.f32 v5, $-1.000000000e+00  }
0x91: {  	vm1 =	vgt.f32 v6, $-1.000000000e+00;
	v8 =	vmin.f32 v8, $2.560000000e+02;
	v9 =	vmax.f32 v6, $-1.000000000e+00  }
0x92: {  	vm0 =	vmand vm0, vm1;
	v7 =	vand.u32 $0x7FFFFFFF, v7;
	v9 =	vmin.f32 v9, $2.560000000e+02  }
0x93: {  	vm2 =	vlt.f32 v6, $2.560000000e+02;
	vm1 =	vlt.f32 v5, $2.560000000e+02;
	v5 =	vtrunc.f32 v9  }
0x94: {  	v6 =	vtrunc.f32 v8;
	vm0 =	vmand vm0, vm1;
	v8 =	vcvt.f32.s32 v5  }
.Ltmp3:
0x95: {  	vm1 =	vlt.f32 v7, $1.000000000e+00;
	v6 =	vcvt.f32.s32 v6;
	vm0 =	vmand vm2, vm0;
	(pc) =	sbr.rel @p0 .LBB2_8-.Ltmp3, $4  }
0x96: {  	v5 =	vor.u32 s10, v4;
	vm0 =	vmand vm0, vm1;
	v7 =	vshll.u32 v8, $0x8  }
0x97: {  	vm1 =	vlt.u32 v5, $0x298;
	v7 =	vadd.s32 v6, v7  }
0x98: {  	vm0 =	vmand vm1, vm0;
	v6 =	vand.u32 $0x7F, v6;
	v7 =	vand.u32 $0xFF80, v7  }
0x99: {  	v6 =	vor.u32 v6, v7  }
0x9a: {  	_ =	sdelay $0x3  }
0x9b: {  	v5 =	vadd.s32 v2, v5  }
0x9c: {  	[tilespmem:v6+s2+$0x0] =	vst.idx.msk vm0, v5  }
0x9d: {  	_ =	strace $0x90000049  }
0x9e: {  	_ =	strace $0x8000004A  }
0x9f: {  	s0 =	rddreg [dreg:$0x6]  }
0xa0: {  	[hbm4b:s0+s19] =	stream.strided.scatter [tilespmem:s2], [sflag:$0x2], $0x10000, s20, s19, $0x200038;
	[tilespmem:$0x19800] =	vst v63  }
0xa1: {  	_ =	swait.ge [sflag:s18], $0x10000  }
0xa2: {  	[sflag:s18] =	ssyncset.done $0x0  }
0xa3: {  	[sflag:s18] =	ssyncadd.s32 $0xFFFF0000  }
0xa4: {  	[bflag:$0x0] =	sbarrier.arrive $0xFFFF  }
0xa5: {  	[tilespmem:s15], [sflag:$0x2] =	stream.strided.gather [hbm4b:s14+s19], $0x2000, s20, s19, $0x200038;
	[tilespmem:$0x19800] =	vst v63  }
0xa6: {  	_ =	swait.ge [sflag:s18], $0x2000  }
0xa7: {  	[sflag:s18] =	ssyncset.done $0x0  }
0xa8: {  	s26 =	simm.s32 $0x1;
	[sflag:s18] =	ssyncadd.s32 $0xFFFFE000  }
.LBB2_10:
0xa9: {  	s0 =	sshll.u32 s26, $0x4  }
0xaa: {  	s0 =	sadd.s32 s0, s14  }
0xab: {  	[tilespmem:s22], [sflag:$0x2] =	stream.strided.gather [hbm4b:s0+s19], $0x2000, s20, s19, $0x200038;
	[tilespmem:$0x19800] =	vst v63  }
0xac: {  	_ =	swait.ge [sflag:s18], $0x2000  }
0xad: {  	[sflag:s18] =	ssyncset.done $0x0  }
0xae: {  	s0 =	simm.s32 $0x0;
	[sflag:s18] =	ssyncadd.s32 $0xFFFFE000  }
0xaf: {  	v12 =	vld [tilespmem:s0+$0x17800]  }
0xb0: {  	v11 =	vld [tilespmem:s0+$0x17810]  }
0xb1: {  	v10 =	vld [tilespmem:s0+$0x17820]  }
0xb2: {  	v9 =	vld [tilespmem:s0+$0x17830]  }
0xb3: {  	v8 =	vld [tilespmem:s0+$0x17840]  }
0xb4: {  	v7 =	vld [tilespmem:s0+$0x17850]  }
0xb5: {  	v6 =	vld [tilespmem:s0+$0x17860]  }
0xb6: {  	v5 =	vld [tilespmem:s0+$0x17870]  }
0xb7: {  	v18 =	vld [tilespmem:s0+$0x15800]  }
0xb8: {  	v17 =	vld [tilespmem:s0+$0x15810]  }
0xb9: {  	v16 =	vld [tilespmem:s0+$0x15820]  }
0xba: {  	v15 =	vld [tilespmem:s0+$0x15830]  }
0xbb: {  	v14 =	vld [tilespmem:s0+$0x15840]  }
0xbc: {  	v13 =	vld [tilespmem:s0+$0x15850];
	vm0 =	vgt.s32 v18, v12  }
0xbd: {  	s1 =	simm.s32 $0x200;
	v18 =	vsel vm0, v18, v12;
	vm0 =	vgt.s32 v17, v11;
	v12 =	vld [tilespmem:s0+$0x15860]  }
.LBB2_11:
0xbe: {  	s10 =	sshra.s32 s1, $0x2;
	p0 =	sne.s32 s1, $0x7E00;
	[tilespmem:s0+$0x15800] =	vst v18;
	v11 =	vsel vm0, v17, v11;
	vm0 =	vgt.s32 v16, v10;
	v17 =	vld [tilespmem:s0+$0x15870]  }
0xbf: {  	v18 =	vld [tilespmem:s10+$0x17800];
	[tilespmem:s0+$0x15810] =	vst v11;
	v10 =	vsel vm0, v16, v10;
	vm0 =	vgt.s32 v15, v9  }
0xc0: {  	v11 =	vld [tilespmem:s10+$0x17810];
	[tilespmem:s0+$0x15820] =	vst v10;
	v9 =	vsel vm0, v15, v9;
	vm0 =	vgt.s32 v14, v8  }
0xc1: {  	v10 =	vld [tilespmem:s10+$0x17820];
	[tilespmem:s0+$0x15830] =	vst v9;
	v8 =	vsel vm0, v14, v8;
	vm0 =	vgt.s32 v13, v7  }
0xc2: {  	v9 =	vld [tilespmem:s10+$0x17830];
	[tilespmem:s0+$0x15840] =	vst v8;
	v7 =	vsel vm0, v13, v7;
	vm0 =	vgt.s32 v12, v6  }
0xc3: {  	v8 =	vld [tilespmem:s10+$0x17840];
	[tilespmem:s0+$0x15850] =	vst v7;
	v6 =	vsel vm0, v12, v6;
	vm0 =	vgt.s32 v17, v5  }
0xc4: {  	v7 =	vld [tilespmem:s10+$0x17850];
	[tilespmem:s0+$0x15860] =	vst v6;
	v5 =	vsel vm0, v17, v5  }
0xc5: {  	v6 =	vld [tilespmem:s10+$0x17860];
	[tilespmem:s0+$0x15870] =	vst v5;
	s0 =	smov.u32 s10  }
0xc6: {  	v5 =	vld [tilespmem:s0+$0x17870]  }
0xc7: {  	v12 =	vld [tilespmem:s0+$0x15800]  }
0xc8: {  	v17 =	vld [tilespmem:s0+$0x15810]  }
.Ltmp4:
0xc9: {  	v16 =	vld [tilespmem:s0+$0x15820];
	(pc) =	sbr.rel @p0 .LBB2_11-.Ltmp4, $4  }
0xca: {  	v15 =	vld [tilespmem:s0+$0x15830]  }
0xcb: {  	v14 =	vld [tilespmem:s0+$0x15840]  }
0xcc: {  	vm0 =	vgt.s32 v12, v18;
	v13 =	vld [tilespmem:s0+$0x15850]  }
0xcd: {  	s1 =	sadd.s32 $0x200, s1;
	v18 =	vsel vm0, v12, v18;
	vm0 =	vgt.s32 v17, v11;
	v12 =	vld [tilespmem:s0+$0x15860]  }
0xce: {  	[tilespmem:s0+$0x15800] =	vst v18;
	v11 =	vsel vm0, v17, v11;
	vm10 =	vgt.s32 v16, v10;
	v63 =	vld [tilespmem:s0+$0x15870]  }
0xcf: {  	s26 =	sadd.s32 $0x1, s26;
	[tilespmem:s0+$0x15810] =	vst v11;
	v10 =	vsel vm10, v16, v10;
	vm11 =	vgt.s32 v15, v9  }
0xd0: {  	p0 =	sne.s32 s26, $0x8;
	[tilespmem:s0+$0x15820] =	vst v10;
	v9 =	vsel vm11, v15, v9;
	vm12 =	vgt.s32 v14, v8  }
.Ltmp5:
0xd1: {  	[tilespmem:s0+$0x15830] =	vst v9;
	v8 =	vsel vm12, v14, v8;
	vm13 =	vgt.s32 v13, v7;
	(pc) =	sbr.rel @p0 .LBB2_10-.Ltmp5, $4  }
0xd2: {  	[tilespmem:s0+$0x15840] =	vst v8;
	v7 =	vsel vm13, v13, v7;
	vm14 =	vgt.s32 v12, v6  }
0xd3: {  	[tilespmem:s0+$0x15850] =	vst v7;
	v6 =	vsel vm14, v12, v6;
	vm15 =	vgt.s32 v63, v5  }
0xd4: {  	[tilespmem:s0+$0x15860] =	vst v6;
	v5 =	vsel vm15, v63, v5  }
0xd5: {  	[tilespmem:s0+$0x15870] =	vst v5  }
0xd6: {  	s26 =	simm.s32 $0x0;
	s0 =	rddreg [dreg:$0x7]  }
0xd7: {  	[hbm4b:s0+s26] =	stream.linear.scatter [tilespmem:s15], [sflag:$0x2], $0x2000, $0x200038;
	[tilespmem:$0x19800] =	vst v63  }
0xd8: {  	_ =	swait.ge [sflag:s18], $0x2000  }
0xd9: {  	[sflag:s18] =	ssyncset.done $0x0  }
0xda: {  	[sflag:s18] =	ssyncadd.s32 $0xFFFFE000  }
0xdb: {  	_ =	strace $0x9000004A  }
0xdc: {  	s28 =	smov.u32 s4;
	_ =	strace $0x8000004B  }
.LBB2_14:
0xdd: {  	s0 =	sshll.u32 s26, $0xB  }
0xde: {  	s31 =	simm.s32 $0x0;
	s29 =	sor.u32 s4, s0;
	s30 =	sadd.s32 $0x15800, s0  }
.LBB2_15:
0xdf: {  	s11 =	simm.s32 $0x0  }
0xe0: {  	s0 =	sand.u32 $0x780, s11  }
0xe1: {  	s10 =	sand.u32 $0x70, s11;
	s0 =	sadd.s32 s0, s30  }
0xe2: {  	s0 =	sadd.s32 s10, s0  }
0xe3: {  	v6 =	vld [tilespmem:s0+$0x0]  }
0xe4: {  	s1 =	smul.u32 $0x1D4C0, s31  }
0xe5: {  	s21 =	sshll.u32 s31, $0xB  }
0xe6: {  	s17 =	sadd.s32 $0x0, s28;
	s13 =	simm.s32 $0x40;
	s15 =	sadd.s32 s7, s1  }
0xe7: {  	s0 =	sand.u32 $0x3FFFF800, s21;
	s21 =	sand.u32 $0x1E00, s11;
	s11 =	simm.s32 $0x10  }
0xe8: {  	v7 =	vor.u32 s17, v4;
	s1 =	sadd.s32 $0x11800, s0;
	s12 =	sand.u32 $0x70, s11;
	s17 =	sshrl.u32 s21, $0x2;
	vm0 =	vlt.s32 v6, $0x0  }
0xe9: {  	v5 =	vmov s15;
	s15 =	sand.u32 $0x780, s11;
	s21 =	simm.s32 $0x80;
	s17 =	sadd.s32 s17, s1;
	v6 =	vsel vm0, v7, v6  }
.LBB2_16:
0xea: {  	p0 =	sne.s32 s21, $0x1FC0;
	s15 =	sadd.s32 s15, s30;
	v6 =	vadd.s32 v5, v6;
	s10 =	sadd.s32 s10, s17  }
0xeb: {  	s15 =	sadd.s32 s12, s15;
	[tilespmem:s10+$0x0] =	vst v6;
	s10 =	smov.u32 s12  }
0xec: {  	v6 =	vld [tilespmem:s15+$0x0];
	_ =	sdelay $0x1  }
.Ltmp6:
0xed: {  	(pc) =	sbr.rel @p0 .LBB2_16-.Ltmp6, $4  }
0xee: {  	_ = 	snop  }
0xef: {  	s13 =	sand.u32 $0x1E00, s13;
	s15 =	sadd.s32 s11, s28;
	s11 =	sadd.s32 $0x10, s11  }
0xf0: {  	s17 =	sshrl.u32 s13, $0x2;
	s13 =	smov.u32 s21;
	s12 =	sand.u32 $0x70, s11;
	v7 =	vor.u32 s15, v4;
	vm0 =	vlt.s32 v6, $0x0  }
0xf1: {  	s21 =	sadd.s32 $0x40, s21;
	s17 =	sadd.s32 s17, s1;
	s15 =	sand.u32 $0x780, s11;
	v6 =	vsel vm0, v7, v6  }
0xf2: {  	s15 =	sadd.s32 s15, s30;
	v6 =	vadd.s32 v5, v6;
	s10 =	sadd.s32 s10, s17  }
0xf3: {  	s15 =	sadd.s32 s12, s15;
	[tilespmem:s10+$0x0] =	vst v6  }
0xf4: {  	v6 =	vld [tilespmem:s15+$0x0];
	_ =	sdelay $0x3  }
0xf5: {  	s11 =	sadd.s32 s11, s28;
	s13 =	sand.u32 $0x1E00, s13  }
0xf6: {  	v7 =	vor.u32 s11, v4;
	s15 =	sshrl.u32 s13, $0x2;
	vm0 =	vlt.s32 v6, $0x0  }
0xf7: {  	s17 =	sshll.u32 s31, $0x7;
	s10 =	sadd.s32 s15, s1;
	v6 =	vsel vm0, v7, v6  }
0xf8: {  	s11 =	sand.u32 $0x3FFFFF80, s17;
	s10 =	sadd.s32 s12, s10;
	v5 =	vadd.s32 v5, v6  }
0xf9: {  	s21 =	sadd.s32 $0x13800, s11;
	[tilespmem:s10+$0x0] =	vst v5  }
0xfa: {  	[tilespmem:s21], [sflag:$0x1] =	stream.indirect.gather [hbm4b:s3+s19], $0x1, s1, s19, $0x2000b8;
	[tilespmem:$0x19800] =	vst v63  }
0xfb: {  	s12 =	sadd.s32 $0x11880, s0;
	s10 =	sadd.s32 $0x13A00, s11  }
0xfc: {  	[tilespmem:s10], [sflag:$0x1] =	stream.indirect.gather [hbm4b:s3+s19], $0x1, s12, s19, $0x2000b8;
	[tilespmem:$0x19800] =	vst v63  }
0xfd: {  	s13 =	sadd.s32 $0x13C00, s11;
	s15 =	sadd.s32 $0x11900, s0  }
0xfe: {  	[tilespmem:s13], [sflag:$0x1] =	stream.indirect.gather [hbm4b:s3+s19], $0x1, s15, s19, $0x2000b8;
	[tilespmem:$0x19800] =	vst v63  }
0xff: {  	s17 =	sadd.s32 $0x13E00, s11;
	s21 =	sadd.s32 $0x11980, s0  }
0x100: {  	[tilespmem:s17], [sflag:$0x1] =	stream.indirect.gather [hbm4b:s3+s19], $0x1, s21, s19, $0x2000b8;
	[tilespmem:$0x19800] =	vst v63  }
0x101: {  	s10 =	sadd.s32 $0x14000, s11;
	s12 =	sadd.s32 $0x11A00, s0  }
0x102: {  	[tilespmem:s10], [sflag:$0x1] =	stream.indirect.gather [hbm4b:s3+s19], $0x1, s12, s19, $0x2000b8;
	[tilespmem:$0x19800] =	vst v63  }
0x103: {  	s13 =	sadd.s32 $0x14200, s11;
	s15 =	sadd.s32 $0x11A80, s0  }
0x104: {  	[tilespmem:s13], [sflag:$0x1] =	stream.indirect.gather [hbm4b:s3+s19], $0x1, s15, s19, $0x2000b8;
	[tilespmem:$0x19800] =	vst v63  }
0x105: {  	s17 =	sadd.s32 $0x14400, s11;
	s21 =	sadd.s32 $0x11B00, s0  }
0x106: {  	[tilespmem:s17], [sflag:$0x1] =	stream.indirect.gather [hbm4b:s3+s19], $0x1, s21, s19, $0x2000b8;
	[tilespmem:$0x19800] =	vst v63  }
0x107: {  	s10 =	sadd.s32 $0x14600, s11;
	s12 =	sadd.s32 $0x11B80, s0  }
0x108: {  	[tilespmem:s10], [sflag:$0x1] =	stream.indirect.gather [hbm4b:s3+s19], $0x1, s12, s19, $0x2000b8;
	[tilespmem:$0x19800] =	vst v63  }
0x109: {  	s13 =	sadd.s32 $0x14800, s11;
	s15 =	sadd.s32 $0x11C00, s0  }
0x10a: {  	[tilespmem:s13], [sflag:$0x1] =	stream.indirect.gather [hbm4b:s3+s19], $0x1, s15, s19, $0x2000b8;
	[tilespmem:$0x19800] =	vst v63  }
0x10b: {  	s17 =	sadd.s32 $0x14A00, s11;
	s21 =	sadd.s32 $0x11C80, s0  }
0x10c: {  	[tilespmem:s17], [sflag:$0x1] =	stream.indirect.gather [hbm4b:s3+s19], $0x1, s21, s19, $0x2000b8;
	[tilespmem:$0x19800] =	vst v63  }
0x10d: {  	s10 =	sadd.s32 $0x14C00, s11;
	s12 =	sadd.s32 $0x11D00, s0  }
0x10e: {  	[tilespmem:s10], [sflag:$0x1] =	stream.indirect.gather [hbm4b:s3+s19], $0x1, s12, s19, $0x2000b8;
	[tilespmem:$0x19800] =	vst v63  }
0x10f: {  	s13 =	sadd.s32 $0x14E00, s11;
	s15 =	sadd.s32 $0x11D80, s0  }
0x110: {  	[tilespmem:s13], [sflag:$0x1] =	stream.indirect.gather [hbm4b:s3+s19], $0x1, s15, s19, $0x2000b8;
	[tilespmem:$0x19800] =	vst v63  }
0x111: {  	s31 =	sadd.s32 $0x1, s31;
	s17 =	sadd.s32 $0x15000, s11;
	s21 =	sadd.s32 $0x11E00, s0  }
0x112: {  	[tilespmem:s17], [sflag:$0x1] =	stream.indirect.gather [hbm4b:s3+s19], $0x1, s21, s19, $0x2000b8;
	[tilespmem:$0x19800] =	vst v63  }
0x113: {  	p0 =	sne.s32 s31, $0x4;
	s10 =	sadd.s32 $0x15200, s11;
	s12 =	sadd.s32 $0x11E80, s0  }
0x114: {  	[tilespmem:s10], [sflag:$0x1] =	stream.indirect.gather [hbm4b:s3+s19], $0x1, s12, s19, $0x2000b8;
	[tilespmem:$0x19800] =	vst v63  }
.Ltmp7:
0x115: {  	_ = 	snop;
	(pc) =	sbr.rel @p0 .LBB2_15-.Ltmp7, $4  }
0x116: {  	s13 =	sadd.s32 $0x15400, s11;
	s15 =	sadd.s32 $0x11F00, s0  }
0x117: {  	[tilespmem:s13], [sflag:$0x1] =	stream.indirect.gather [hbm4b:s3+s19], $0x1, s15, s19, $0x2000b8;
	[tilespmem:$0x19800] =	vst v63  }
0x118: {  	s17 =	sadd.s32 $0x15600, s11;
	s21 =	sadd.s32 $0x11F80, s0  }
0x119: {  	[tilespmem:s17], [sflag:$0x1] =	stream.indirect.gather [hbm4b:s3+s19], $0x1, s21, s19, $0x2000b8;
	[tilespmem:$0x19800] =	vst v63  }
0x11a: {  	_ =	swait.ge [sflag:s23], $0x80  }
0x11b: {  	s0 =	simm.s32 $0x3F;
	[sflag:s23] =	ssyncset.done $0x0  }
.LBB2_19:
0x11c: {  	p0 =	sne.s32 s0, $0x1;
	s0 =	sadd.s32 $0xFFFFFFFF, s0;
	[sflag:s23] =	ssyncadd.s32 $0xFFFFFF80  }
.Ltmp8:
0x11d: {  	(pc) =	sbr.rel @p0 .LBB2_19-.Ltmp8, $3  }
0x11e: {  	_ =	sdelay $0x1  }
0x11f: {  	_ =	swait.ge [sflag:s23], $0x80  }
0x120: {  	[sflag:s23] =	ssyncset.done $0x0  }
0x121: {  	s0 =	sshll.u32 s29, $0x2  }
0x122: {  	s26 =	sadd.s32 $0x1, s26;
	s0 =	sadd.s32 s16, s0  }
0x123: {  	p0 =	sne.s32 s26, $0x4;
	s0 =	sshrl.u32 s0, $0x3  }
.Ltmp9:
0x124: {  	[sflag:s23] =	ssyncadd.s32 $0xFFFFFF80;
	s0 =	sadd.s32 s5, s0;
	(pc) =	sbr.rel @p0 .LBB2_14-.Ltmp9, $4  }
0x125: {  	[hbm4b:s0+s2] =	stream.linear.scatter [tilespmem:s24], [sflag:$0x2], $0x2000, $0x200038;
	[tilespmem:$0x19800] =	vst v63  }
0x126: {  	_ =	swait.ge [sflag:s18], $0x2000  }
0x127: {  	[sflag:s18] =	ssyncset.done $0x0  }
0x128: {  	s28 =	sadd.s32 $0x800, s28;
	[sflag:s18] =	ssyncadd.s32 $0xFFFFE000  }
0x129: {  	s25 =	sadd.s32 $0x1, s25;
	s0 =	rddreg [dreg:$0x8]  }
0x12a: {  	p0 =	sne.s32 s25, s0  }
.Ltmp10:
0x12b: {  	_ = 	snop;
	(pc) =	sbr.rel @p0 .LBB2_1-.Ltmp10, $2  }
0x12c: {  	_ =	sdelay $0x2  }
0x12d: {  	_ =	strace $0x9000004B;
	s15 =	simm.s32 $0x15800  }
0x12e: {  	_ =	sfence.sel $0x180000  }
0x12f: {  	[bflag:$0x0] =	sbarrier.arrive $0xFFFF  }
0x130: {  	_ =	strace $0x90000047  }
0x131: {  	s0 =	stileid.u32;
	[bflag:$0x2] =	sbarrier.arrive $0xFFFF  }
0x132: {  	p0 =	sne.s32 s0, $0x0;
	s0 =	rddreg [dreg:$0x2]  }
0x133: {  	s0 =	sadd.s32 @!p0 $0x100000, s0  }
0x134: {  	[sflag:s0] =	ssyncadd.tile.s32 @!p0 $0x1;
	_ =	shalt  }
.Lfunc_end2:
_tile_overlayer_lowered:
.L_overlay_start_2:
0x135: {  	(tag) =	ssettag $0x2  }
0x136: {  	s0 =	rddreg [dreg:$0x0];
	s2 =	stileid.u32  }
0x137: {  	s1 =	rddreg [dreg:$0x1];
	p0 =	sne.s32 s2, $0x0  }
0x138: {  	s3 =	rddreg [dreg:$0x2];
	[bflag:$0x3] =	sbarrier.arrive $0xFFFF;
	s2 =	simm.s32 @!p0 $0x1C02  }
0x139: {  	[timem:s3], [sflag:s2] =	dma.local @!p0 [hbm:s0], s1  }
0x13a: {  	s0 =	simm.s32 @!p0 $0x2  }
0x13b: {  	_ =	swait.ge @!p0 [sflag:s0], s1  }
0x13c: {  	s1 =	ssub.s32 @!p0 $0x0, s1;
	[sflag:s0] =	ssyncset.done @!p0 $0x0  }
0x13d: {  	[sflag:s0] =	ssyncadd.s32 @!p0 s1  }
0x13e: {  	[bflag:$0x3] =	sbarrier.arrive $0xFFFF  }
0x13f: {  	_ =	shalt  }

</sc_bundles>
